<compile_context>
chip_gen: v7x
topology: tpu7x:2x2x1
jax: 0.10.2.dev20260603
libtpu: 0.0.44.dev20260713+nightly
codegen_flags: <defaults>
</compile_context>

<pallas_src>
import functools

import jax
import jax.numpy as jnp
from jax import lax
from jax.experimental import pallas as pl
from jax.experimental.pallas import tpu as pltpu
from jax.experimental.pallas import tpu_sc as plsc

_B = 512
_NC2 = 28
_D = 128
_R = 10
_NOBJ = 8
_NREL = _B * _R
_G = 256

_NC = 2
_NS = 16
_NW = _NC * _NS
_PER_W = _NREL // _NW
_CHUNK = _PER_W // 2


def _make_sc_gather():
    mesh = plsc.VectorSubcoreMesh(core_axis_name="c", subcore_axis_name="s")

    @functools.partial(
        pl.kernel,
        mesh=mesh,
        out_type=jax.ShapeDtypeStruct((_NREL, _D), jnp.float32),
        scratch_types=[
            pltpu.VMEM((_PER_W,), jnp.int32),
            pltpu.VMEM((_PER_W,), jnp.int32),
            pltpu.VMEM((2, _CHUNK), jnp.int32),
            pltpu.VMEM((_PER_W, _D), jnp.float32),
            pltpu.SemaphoreType.DMA,
            pltpu.SemaphoreType.DMA,
        ],
    )
    def sc_gather(x_hbm, pairs_hbm, out_hbm, i_v, j_v, idx_v, rows_v, sem, wsem):
        wid = lax.axis_index("s") * _NC + lax.axis_index("c")
        base = wid * _PER_W
        pltpu.sync_copy(pairs_hbm.at[pl.ds(base, _PER_W)], i_v)
        pltpu.sync_copy(pairs_hbm.at[pl.ds(_NREL + base, _PER_W)], j_v)
        lane = lax.iota(jnp.int32, 16)
        for v in range(_PER_W // 16):
            iv = i_v[pl.ds(v * 16, 16)]
            jv = j_v[pl.ds(v * 16, 16)]
            lo = jnp.minimum(iv, jv)
            hi = jnp.maximum(iv, jv)
            rank = (lax.shift_right_logical(lo * (2 * _NOBJ - 1 - lo), 1)
                    + (hi - lo - 1))
            k = base + v * 16 + lane
            img = lax.shift_right_logical(k * 52429, 19)
            idx = img * _NC2 + rank
            idx_v[v // 5, pl.ds((v % 5) * 16, 16)] = idx
        gathers = [
            pltpu.async_copy(x_hbm.at[idx_v.at[c]],
                             rows_v.at[pl.ds(c * _CHUNK, _CHUNK)], sem)
            for c in range(2)
        ]
        writes = []
        for c in range(2):
            gathers[c].wait()
            writes.append(pltpu.async_copy(
                rows_v.at[pl.ds(c * _CHUNK, _CHUNK)],
                out_hbm.at[pl.ds(base + c * _CHUNK, _CHUNK)], wsem))
        for wr in writes:
            wr.wait()

    return sc_gather


_SC_GATHER = _make_sc_gather()


def _tc_kernel(x_ref, xsel_ref, w_ref, ws_ref, b_ref, out_ref):
    x = x_ref[...]
    xsel = xsel_ref[...].reshape(_G * _R, _D)
    s = jnp.dot(jnp.sum(x, axis=1), w_ref[...],
                preferred_element_type=jnp.float32)
    out = (jnp.dot(xsel, ws_ref[...], preferred_element_type=jnp.float32)
           .reshape(_G, _R, _D) + s[:, None, :] + b_ref[...])
    out_ref[...] = jnp.maximum(out, 0.0)


def kernel(spatial_branch_feature_map, slicing_tensor, num_obj, object_pairs,
           num_relation, W, W_self, b):
    x = spatial_branch_feature_map
    pairs_t = object_pairs.reshape(_NREL, 2).T.reshape(2 * _NREL)
    xsel = _SC_GATHER(x, pairs_t)

    x3 = x.reshape(_B, _NC2, _D)
    xsel3 = xsel.reshape(_B, _R, _D)
    b2 = b.reshape(1, 1, _D)
    out = pl.pallas_call(
        _tc_kernel,
        grid=(_B // _G,),
        in_specs=[
            pl.BlockSpec((_G, _NC2, _D), lambda g: (g, 0, 0)),
            pl.BlockSpec((_G, _R, _D), lambda g: (g, 0, 0)),
            pl.BlockSpec((_D, _D), lambda g: (0, 0)),
            pl.BlockSpec((_D, _D), lambda g: (0, 0)),
            pl.BlockSpec((1, 1, _D), lambda g: (0, 0, 0)),
        ],
        out_specs=pl.BlockSpec((_G, _R, _D), lambda g: (g, 0, 0)),
        out_shape=jax.ShapeDtypeStruct((_B, _R, _D), jnp.float32),
    )(x3, xsel3, W, W_self, b2)
    return out.reshape(_NREL, _D)

# --- scband reference (transcript-rebuilt; emitter-appended) ---
"""Pipeline reference for scband-graphical-branch-drg-84610855731248 (READ-ONLY COPY).

The authoritative reference and input builder live on the scoring server;
editing this copy changes nothing except your own understanding.
"""

import jax, jax.numpy as jnp
import numpy as np

B = 512
N_OBJ = 8
NC2 = N_OBJ * (N_OBJ - 1) // 2  # 28 pair-nodes per image
N_NODES = B * NC2               # 14336
D = 128
MAX_REL = 10


def _build_edge_index():
    # fully connected graph over the NC2 pair-nodes of each image, offset per image
    src = np.repeat(np.arange(NC2), NC2)
    dst = np.tile(np.arange(NC2), NC2)
    offs = (np.arange(B) * NC2)[:, None]
    src_all = (src[None, :] + offs).reshape(-1)
    dst_all = (dst[None, :] + offs).reshape(-1)
    return jnp.asarray(src_all, jnp.int32), jnp.asarray(dst_all, jnp.int32)

_SRC, _DST = _build_edge_index()


def setup_inputs(seed: int = 0):
    key = jax.random.key(seed)
    k1, k2, k3, k4, k5 = jax.random.split(key, 5)
    x = jax.random.normal(k1, (N_NODES, D), dtype=jnp.float32)
    # slicing tensor: rows (batch_index, i, j) with i<j enumerating object pairs
    pairs = np.array([(i, j) for i in range(N_OBJ) for j in range(i + 1, N_OBJ)], dtype=np.int32)
    slicing = np.concatenate([np.repeat(np.arange(B, dtype=np.int32), NC2)[:, None], np.tile(pairs, (B, 1))], axis=1)
    num_obj = jnp.full((B,), N_OBJ, dtype=jnp.int32)
    num_relation = jnp.full((B,), MAX_REL, dtype=jnp.int32)
    i_idx = jax.random.randint(k2, (B, MAX_REL), 0, N_OBJ)
    off = jax.random.randint(k3, (B, MAX_REL), 1, N_OBJ)
    j_idx = (i_idx + off) % N_OBJ
    object_pairs = jnp.stack([i_idx, j_idx], axis=-1).astype(jnp.int32)
    # GNN parameters sized per config['gnn_dimensions'] = [128, 128]
    W = jax.random.normal(k4, (D, D), dtype=jnp.float32) * 0.05
    W_self = jax.random.normal(k5, (D, D), dtype=jnp.float32) * 0.05
    b = jnp.zeros((D,), dtype=jnp.float32)
    return {"spatial_branch_feature_map": x, "slicing_tensor": jnp.asarray(slicing, jnp.int32),
            "num_obj": num_obj, "object_pairs": object_pairs, "num_relation": num_relation,
            "W": W, "W_self": W_self, "b": b}


def _gnn(x, W, W_self, b):
    # one message-passing layer: transform, gather over src, scatter-add into dst, add self term
    xw = x @ W
    agg = jax.ops.segment_sum(xw[_SRC], _DST, num_segments=N_NODES)
    return jax.nn.relu(agg + x @ W_self + b)


def _filter(h, slicing_tensor, object_pairs):
    # faithful to filter_tensor_for_classifier: locate the unique row of slicing_tensor
    # matching (b, min(i,j), max(i,j)) and gather it. slicing keys are sorted so the
    # equality search is realized via searchsorted on a packed key.
    R = B * MAX_REL
    rel_b = jnp.repeat(jnp.arange(B, dtype=jnp.int32), MAX_REL)
    p = object_pairs.reshape(R, 2)
    pmin = jnp.minimum(p[:, 0], p[:, 1])
    pmax = jnp.maximum(p[:, 0], p[:, 1])
    keys = slicing_tensor[:, 0] * (N_OBJ * N_OBJ) + slicing_tensor[:, 1] * N_OBJ + slicing_tensor[:, 2]
    qkeys = rel_b * (N_OBJ * N_OBJ) + pmin * N_OBJ + pmax
    idx = jnp.searchsorted(keys, qkeys)
    return h[idx]


def reference(spatial_branch_feature_map, slicing_tensor, num_obj, object_pairs, num_relation, W, W_self, b):
    h = _gnn(spatial_branch_feature_map, W, W_self, b)
    return _filter(h, slicing_tensor, object_pairs)

if __name__ == "__main__":
    import jax
    _d = setup_inputs()
    print(jax.jit(kernel)(*tuple(_d.values())))

</pallas_src>

<mosaic_0001>
#map = affine_map<(d0, d1) -> (0, 0)>
#map1 = affine_map<(d0, d1) -> (0)>
module attributes {stable_mosaic.version = 14 : i64} {
  func.func @sc_gather(%arg0: i32, %arg1: i32, %arg2: memref<14336x128xf32, #tpu.memory_space<hbm>>, %arg3: memref<10240xi32, #tpu.memory_space<hbm>>, %arg4: memref<5120x128xf32, #tpu.memory_space<hbm>>, %arg5: memref<160xi32, #tpu.memory_space<vmem>>, %arg6: memref<160xi32, #tpu.memory_space<vmem>>, %arg7: memref<2x80xi32, #tpu.memory_space<vmem>>, %arg8: memref<160x128xf32, #tpu.memory_space<vmem>>, %arg9: memref<!tpu.dma_semaphore, #tpu.memory_space<semaphore_mem>>, %arg10: memref<!tpu.dma_semaphore, #tpu.memory_space<semaphore_mem>>) attributes {dimension_semantics = [#tpu.dimension_semantics<core_parallel>, #tpu.dimension_semantics<subcore_parallel>], iteration_bounds = array<i64: 2, 16>, scalar_prefetch = 0 : i64, scratch_operands = 6 : i64, tpu.core_type = #tpu.core_type<sc_vector_subcore>, window_params = [{transform_indices = #map}, {transform_indices = #map1}, {transform_indices = #map}]} {
    %mul3A = arith.constant 2 : i32
    %mul3A_0 = arith.muli %arg1, %mul3A : i32
    %add3A = arith.addi %mul3A_0, %arg0 : i32
    %mul3A_1 = arith.constant 160 : i32
    %mul3A_2 = arith.muli %add3A, %mul3A_1 : i32
    "tpu.region"() ({
      %run_scoped3A = tpu.sem_alloc : memref<!tpu.dma_semaphore, #tpu.memory_space<semaphore_mem>>
      %dma_start3A_481 = tpu.memref_slice %arg3[%mul3A_2] : memref<10240xi32, #tpu.memory_space<hbm>> -> memref<160xi32, #tpu.memory_space<hbm>>
      %dma_start3A_482 = tpu.memref_slice %arg3[%mul3A_2] : memref<10240xi32, #tpu.memory_space<hbm>> -> memref<160xi32, #tpu.memory_space<hbm>>
      tpu.enqueue_dma source(%dma_start3A_482 : memref<160xi32, #tpu.memory_space<hbm>>) target(%arg5 : memref<160xi32, #tpu.memory_space<vmem>>) target_semaphore(%run_scoped3A : memref<!tpu.dma_semaphore, #tpu.memory_space<semaphore_mem>>)
      %dma_wait3A_483 = tpu.memref_slice %arg3[%mul3A_2] : memref<10240xi32, #tpu.memory_space<hbm>> -> memref<160xi32, #tpu.memory_space<hbm>>
      %dma_wait3A_484 = tpu.memref_slice %arg3[%mul3A_2] : memref<10240xi32, #tpu.memory_space<hbm>> -> memref<160xi32, #tpu.memory_space<hbm>>
      tpu.wait_dma2 semaphore(%run_scoped3A : memref<!tpu.dma_semaphore, #tpu.memory_space<semaphore_mem>>) src(%dma_wait3A_484 : memref<160xi32, #tpu.memory_space<hbm>>) dst(%arg5 : memref<160xi32, #tpu.memory_space<vmem>>)
      tpu.yield
    }) : () -> ()
    %add3A_3 = arith.constant 5120 : i32
    %add3A_4 = arith.addi %add3A_3, %mul3A_2 : i32
    "tpu.region"() ({
      %run_scoped3A = tpu.sem_alloc : memref<!tpu.dma_semaphore, #tpu.memory_space<semaphore_mem>>
      %dma_start3A_481 = tpu.memref_slice %arg3[%add3A_4] : memref<10240xi32, #tpu.memory_space<hbm>> -> memref<160xi32, #tpu.memory_space<hbm>>
      %dma_start3A_482 = tpu.memref_slice %arg3[%add3A_4] : memref<10240xi32, #tpu.memory_space<hbm>> -> memref<160xi32, #tpu.memory_space<hbm>>
      tpu.enqueue_dma source(%dma_start3A_482 : memref<160xi32, #tpu.memory_space<hbm>>) target(%arg6 : memref<160xi32, #tpu.memory_space<vmem>>) target_semaphore(%run_scoped3A : memref<!tpu.dma_semaphore, #tpu.memory_space<semaphore_mem>>)
      %dma_wait3A_483 = tpu.memref_slice %arg3[%add3A_4] : memref<10240xi32, #tpu.memory_space<hbm>> -> memref<160xi32, #tpu.memory_space<hbm>>
      %dma_wait3A_484 = tpu.memref_slice %arg3[%add3A_4] : memref<10240xi32, #tpu.memory_space<hbm>> -> memref<160xi32, #tpu.memory_space<hbm>>
      tpu.wait_dma2 semaphore(%run_scoped3A : memref<!tpu.dma_semaphore, #tpu.memory_space<semaphore_mem>>) src(%dma_wait3A_484 : memref<160xi32, #tpu.memory_space<hbm>>) dst(%arg6 : memref<160xi32, #tpu.memory_space<vmem>>)
      tpu.yield
    }) : () -> ()
    %iota3A = tpu.iota {dimensions = array<i32: 0>} : vector<16xi32>
    %get3A = arith.constant 0 : index
    %get3A_5 = tpu.vector_load %arg5[%get3A] {strides = array<i32>} : memref<160xi32, #tpu.memory_space<vmem>>, vector<16xi32>,
    %get3A_6 = vector.shape_cast %get3A_5 : vector<16xi32> to vector<16xi32>
    %get3A_7 = arith.constant 0 : index
    %get3A_8 = tpu.vector_load %arg6[%get3A_7] {strides = array<i32>} : memref<160xi32, #tpu.memory_space<vmem>>, vector<16xi32>,
    %get3A_9 = vector.shape_cast %get3A_8 : vector<16xi32> to vector<16xi32>
    %min3A = arith.minsi %get3A_6, %get3A_9 : vector<16xi32>
    %max3A = arith.maxsi %get3A_6, %get3A_9 : vector<16xi32>
    %sub3A = arith.constant 15 : i32
    %sub3A_10 = vector.broadcast %sub3A : i32 to vector<16xi32>
    %sub3A_11 = arith.subi %sub3A_10, %min3A : vector<16xi32>
    %mul3A_12 = arith.muli %min3A, %sub3A_11 : vector<16xi32>
    %shift_right_logical3A = arith.constant 1 : i32
    %shift_right_logical3A_13 = vector.broadcast %shift_right_logical3A : i32 to vector<16xi32>
    %shift_right_logical3A_14 = arith.shrui %mul3A_12, %shift_right_logical3A_13 : vector<16xi32>
    %sub3A_15 = arith.subi %max3A, %min3A : vector<16xi32>
    %sub3A_16 = arith.constant 1 : i32
    %sub3A_17 = vector.broadcast %sub3A_16 : i32 to vector<16xi32>
    %sub3A_18 = arith.subi %sub3A_15, %sub3A_17 : vector<16xi32>
    %add3A_19 = arith.addi %shift_right_logical3A_14, %sub3A_18 : vector<16xi32>
    %add3A_20 = arith.constant 0 : i32
    %add3A_21 = arith.addi %mul3A_2, %add3A_20 : i32
    %add3A_22 = vector.broadcast %add3A_21 : i32 to vector<16xi32>
    %add3A_23 = arith.addi %add3A_22, %iota3A : vector<16xi32>
    %mul3A_24 = arith.constant 52429 : i32
    %mul3A_25 = vector.broadcast %mul3A_24 : i32 to vector<16xi32>
    %mul3A_26 = arith.muli %add3A_23, %mul3A_25 : vector<16xi32>
    %shift_right_logical3A_27 = arith.constant 19 : i32
    %shift_right_logical3A_28 = vector.broadcast %shift_right_logical3A_27 : i32 to vector<16xi32>
    %shift_right_logical3A_29 = arith.shrui %mul3A_26, %shift_right_logical3A_28 : vector<16xi32>
    %mul3A_30 = arith.constant 28 : i32
    %mul3A_31 = vector.broadcast %mul3A_30 : i32 to vector<16xi32>
    %mul3A_32 = arith.muli %shift_right_logical3A_29, %mul3A_31 : vector<16xi32>
    %add3A_33 = arith.addi %mul3A_32, %add3A_19 : vector<16xi32>
    %swap3A = arith.constant 0 : i32
    %swap3A_34 = arith.index_cast %swap3A : i32 to index
    %swap3A_35 = arith.constant 0 : index
    %swap3A_36 = tpu.vector_load %arg7[%swap3A_34, %swap3A_35] {strides = array<i32>} : memref<2x80xi32, #tpu.memory_space<vmem>>, vector<1x16xi32>,
    %swap3A_37 = vector.shape_cast %swap3A_36 : vector<1x16xi32> to vector<16xi32>
    %swap3A_38 = vector.shape_cast %add3A_33 : vector<16xi32> to vector<1x16xi32>
    tpu.vector_store %arg7[%swap3A_34, %swap3A_35], %swap3A_38 {strides = array<i32>} : memref<2x80xi32, #tpu.memory_space<vmem>>, vector<1x16xi32>,
    %get3A_39 = arith.constant 16 : index
    %get3A_40 = tpu.vector_load %arg5[%get3A_39] {strides = array<i32>} : memref<160xi32, #tpu.memory_space<vmem>>, vector<16xi32>,
    %get3A_41 = vector.shape_cast %get3A_40 : vector<16xi32> to vector<16xi32>
    %get3A_42 = arith.constant 16 : index
    %get3A_43 = tpu.vector_load %arg6[%get3A_42] {strides = array<i32>} : memref<160xi32, #tpu.memory_space<vmem>>, vector<16xi32>,
    %get3A_44 = vector.shape_cast %get3A_43 : vector<16xi32> to vector<16xi32>
    %min3A_45 = arith.minsi %get3A_41, %get3A_44 : vector<16xi32>
    %max3A_46 = arith.maxsi %get3A_41, %get3A_44 : vector<16xi32>
    %sub3A_47 = arith.constant 15 : i32
    %sub3A_48 = vector.broadcast %sub3A_47 : i32 to vector<16xi32>
    %sub3A_49 = arith.subi %sub3A_48, %min3A_45 : vector<16xi32>
    %mul3A_50 = arith.muli %min3A_45, %sub3A_49 : vector<16xi32>
    %shift_right_logical3A_51 = arith.constant 1 : i32
    %shift_right_logical3A_52 = vector.broadcast %shift_right_logical3A_51 : i32 to vector<16xi32>
    %shift_right_logical3A_53 = arith.shrui %mul3A_50, %shift_right_logical3A_52 : vector<16xi32>
    %sub3A_54 = arith.subi %max3A_46, %min3A_45 : vector<16xi32>
    %sub3A_55 = arith.constant 1 : i32
    %sub3A_56 = vector.broadcast %sub3A_55 : i32 to vector<16xi32>
    %sub3A_57 = arith.subi %sub3A_54, %sub3A_56 : vector<16xi32>
    %add3A_58 = arith.addi %shift_right_logical3A_53, %sub3A_57 : vector<16xi32>
    %add3A_59 = arith.constant 16 : i32
    %add3A_60 = arith.addi %mul3A_2, %add3A_59 : i32
    %add3A_61 = vector.broadcast %add3A_60 : i32 to vector<16xi32>
    %add3A_62 = arith.addi %add3A_61, %iota3A : vector<16xi32>
    %mul3A_63 = arith.constant 52429 : i32
    %mul3A_64 = vector.broadcast %mul3A_63 : i32 to vector<16xi32>
    %mul3A_65 = arith.muli %add3A_62, %mul3A_64 : vector<16xi32>
    %shift_right_logical3A_66 = arith.constant 19 : i32
    %shift_right_logical3A_67 = vector.broadcast %shift_right_logical3A_66 : i32 to vector<16xi32>
    %shift_right_logical3A_68 = arith.shrui %mul3A_65, %shift_right_logical3A_67 : vector<16xi32>
    %mul3A_69 = arith.constant 28 : i32
    %mul3A_70 = vector.broadcast %mul3A_69 : i32 to vector<16xi32>
    %mul3A_71 = arith.muli %shift_right_logical3A_68, %mul3A_70 : vector<16xi32>
    %add3A_72 = arith.addi %mul3A_71, %add3A_58 : vector<16xi32>
    %swap3A_73 = arith.constant 0 : i32
    %swap3A_74 = arith.index_cast %swap3A_73 : i32 to index
    %swap3A_75 = arith.constant 16 : index
    %swap3A_76 = tpu.vector_load %arg7[%swap3A_74, %swap3A_75] {strides = array<i32>} : memref<2x80xi32, #tpu.memory_space<vmem>>, vector<1x16xi32>,
    %swap3A_77 = vector.shape_cast %swap3A_76 : vector<1x16xi32> to vector<16xi32>
    %swap3A_78 = vector.shape_cast %add3A_72 : vector<16xi32> to vector<1x16xi32>
    tpu.vector_store %arg7[%swap3A_74, %swap3A_75], %swap3A_78 {strides = array<i32>} : memref<2x80xi32, #tpu.memory_space<vmem>>, vector<1x16xi32>,
    %get3A_79 = arith.constant 32 : index
    %get3A_80 = tpu.vector_load %arg5[%get3A_79] {strides = array<i32>} : memref<160xi32, #tpu.memory_space<vmem>>, vector<16xi32>,
    %get3A_81 = vector.shape_cast %get3A_80 : vector<16xi32> to vector<16xi32>
    %get3A_82 = arith.constant 32 : index
    %get3A_83 = tpu.vector_load %arg6[%get3A_82] {strides = array<i32>} : memref<160xi32, #tpu.memory_space<vmem>>, vector<16xi32>,
    %get3A_84 = vector.shape_cast %get3A_83 : vector<16xi32> to vector<16xi32>
    %min3A_85 = arith.minsi %get3A_81, %get3A_84 : vector<16xi32>
    %max3A_86 = arith.maxsi %get3A_81, %get3A_84 : vector<16xi32>
    %sub3A_87 = arith.constant 15 : i32
    %sub3A_88 = vector.broadcast %sub3A_87 : i32 to vector<16xi32>
    %sub3A_89 = arith.subi %sub3A_88, %min3A_85 : vector<16xi32>
    %mul3A_90 = arith.muli %min3A_85, %sub3A_89 : vector<16xi32>
    %shift_right_logical3A_91 = arith.constant 1 : i32
    %shift_right_logical3A_92 = vector.broadcast %shift_right_logical3A_91 : i32 to vector<16xi32>
    %shift_right_logical3A_93 = arith.shrui %mul3A_90, %shift_right_logical3A_92 : vector<16xi32>
    %sub3A_94 = arith.subi %max3A_86, %min3A_85 : vector<16xi32>
    %sub3A_95 = arith.constant 1 : i32
    %sub3A_96 = vector.broadcast %sub3A_95 : i32 to vector<16xi32>
    %sub3A_97 = arith.subi %sub3A_94, %sub3A_96 : vector<16xi32>
    %add3A_98 = arith.addi %shift_right_logical3A_93, %sub3A_97 : vector<16xi32>
    %add3A_99 = arith.constant 32 : i32
    %add3A_100 = arith.addi %mul3A_2, %add3A_99 : i32
    %add3A_101 = vector.broadcast %add3A_100 : i32 to vector<16xi32>
    %add3A_102 = arith.addi %add3A_101, %iota3A : vector<16xi32>
    %mul3A_103 = arith.constant 52429 : i32
    %mul3A_104 = vector.broadcast %mul3A_103 : i32 to vector<16xi32>
    %mul3A_105 = arith.muli %add3A_102, %mul3A_104 : vector<16xi32>
    %shift_right_logical3A_106 = arith.constant 19 : i32
    %shift_right_logical3A_107 = vector.broadcast %shift_right_logical3A_106 : i32 to vector<16xi32>
    %shift_right_logical3A_108 = arith.shrui %mul3A_105, %shift_right_logical3A_107 : vector<16xi32>
    %mul3A_109 = arith.constant 28 : i32
    %mul3A_110 = vector.broadcast %mul3A_109 : i32 to vector<16xi32>
    %mul3A_111 = arith.muli %shift_right_logical3A_108, %mul3A_110 : vector<16xi32>
    %add3A_112 = arith.addi %mul3A_111, %add3A_98 : vector<16xi32>
    %swap3A_113 = arith.constant 0 : i32
    %swap3A_114 = arith.index_cast %swap3A_113 : i32 to index
    %swap3A_115 = arith.constant 32 : index
    %swap3A_116 = tpu.vector_load %arg7[%swap3A_114, %swap3A_115] {strides = array<i32>} : memref<2x80xi32, #tpu.memory_space<vmem>>, vector<1x16xi32>,
    %swap3A_117 = vector.shape_cast %swap3A_116 : vector<1x16xi32> to vector<16xi32>
    %swap3A_118 = vector.shape_cast %add3A_112 : vector<16xi32> to vector<1x16xi32>
    tpu.vector_store %arg7[%swap3A_114, %swap3A_115], %swap3A_118 {strides = array<i32>} : memref<2x80xi32, #tpu.memory_space<vmem>>, vector<1x16xi32>,
    %get3A_119 = arith.constant 48 : index
    %get3A_120 = tpu.vector_load %arg5[%get3A_119] {strides = array<i32>} : memref<160xi32, #tpu.memory_space<vmem>>, vector<16xi32>,
    %get3A_121 = vector.shape_cast %get3A_120 : vector<16xi32> to vector<16xi32>
    %get3A_122 = arith.constant 48 : index
    %get3A_123 = tpu.vector_load %arg6[%get3A_122] {strides = array<i32>} : memref<160xi32, #tpu.memory_space<vmem>>, vector<16xi32>,
    %get3A_124 = vector.shape_cast %get3A_123 : vector<16xi32> to vector<16xi32>
    %min3A_125 = arith.minsi %get3A_121, %get3A_124 : vector<16xi32>
    %max3A_126 = arith.maxsi %get3A_121, %get3A_124 : vector<16xi32>
    %sub3A_127 = arith.constant 15 : i32
    %sub3A_128 = vector.broadcast %sub3A_127 : i32 to vector<16xi32>
    %sub3A_129 = arith.subi %sub3A_128, %min3A_125 : vector<16xi32>
    %mul3A_130 = arith.muli %min3A_125, %sub3A_129 : vector<16xi32>
    %shift_right_logical3A_131 = arith.constant 1 : i32
    %shift_right_logical3A_132 = vector.broadcast %shift_right_logical3A_131 : i32 to vector<16xi32>
    %shift_right_logical3A_133 = arith.shrui %mul3A_130, %shift_right_logical3A_132 : vector<16xi32>
    %sub3A_134 = arith.subi %max3A_126, %min3A_125 : vector<16xi32>
    %sub3A_135 = arith.constant 1 : i32
    %sub3A_136 = vector.broadcast %sub3A_135 : i32 to vector<16xi32>
    %sub3A_137 = arith.subi %sub3A_134, %sub3A_136 : vector<16xi32>
    %add3A_138 = arith.addi %shift_right_logical3A_133, %sub3A_137 : vector<16xi32>
    %add3A_139 = arith.constant 48 : i32
    %add3A_140 = arith.addi %mul3A_2, %add3A_139 : i32
    %add3A_141 = vector.broadcast %add3A_140 : i32 to vector<16xi32>
    %add3A_142 = arith.addi %add3A_141, %iota3A : vector<16xi32>
    %mul3A_143 = arith.constant 52429 : i32
    %mul3A_144 = vector.broadcast %mul3A_143 : i32 to vector<16xi32>
    %mul3A_145 = arith.muli %add3A_142, %mul3A_144 : vector<16xi32>
    %shift_right_logical3A_146 = arith.constant 19 : i32
    %shift_right_logical3A_147 = vector.broadcast %shift_right_logical3A_146 : i32 to vector<16xi32>
    %shift_right_logical3A_148 = arith.shrui %mul3A_145, %shift_right_logical3A_147 : vector<16xi32>
    %mul3A_149 = arith.constant 28 : i32
    %mul3A_150 = vector.broadcast %mul3A_149 : i32 to vector<16xi32>
    %mul3A_151 = arith.muli %shift_right_logical3A_148, %mul3A_150 : vector<16xi32>
    %add3A_152 = arith.addi %mul3A_151, %add3A_138 : vector<16xi32>
    %swap3A_153 = arith.constant 0 : i32
    %swap3A_154 = arith.index_cast %swap3A_153 : i32 to index
    %swap3A_155 = arith.constant 48 : index
    %swap3A_156 = tpu.vector_load %arg7[%swap3A_154, %swap3A_155] {strides = array<i32>} : memref<2x80xi32, #tpu.memory_space<vmem>>, vector<1x16xi32>,
    %swap3A_157 = vector.shape_cast %swap3A_156 : vector<1x16xi32> to vector<16xi32>
    %swap3A_158 = vector.shape_cast %add3A_152 : vector<16xi32> to vector<1x16xi32>
    tpu.vector_store %arg7[%swap3A_154, %swap3A_155], %swap3A_158 {strides = array<i32>} : memref<2x80xi32, #tpu.memory_space<vmem>>, vector<1x16xi32>,
    %get3A_159 = arith.constant 64 : index
    %get3A_160 = tpu.vector_load %arg5[%get3A_159] {strides = array<i32>} : memref<160xi32, #tpu.memory_space<vmem>>, vector<16xi32>,
    %get3A_161 = vector.shape_cast %get3A_160 : vector<16xi32> to vector<16xi32>
    %get3A_162 = arith.constant 64 : index
    %get3A_163 = tpu.vector_load %arg6[%get3A_162] {strides = array<i32>} : memref<160xi32, #tpu.memory_space<vmem>>, vector<16xi32>,
    %get3A_164 = vector.shape_cast %get3A_163 : vector<16xi32> to vector<16xi32>
    %min3A_165 = arith.minsi %get3A_161, %get3A_164 : vector<16xi32>
    %max3A_166 = arith.maxsi %get3A_161, %get3A_164 : vector<16xi32>
    %sub3A_167 = arith.constant 15 : i32
    %sub3A_168 = vector.broadcast %sub3A_167 : i32 to vector<16xi32>
    %sub3A_169 = arith.subi %sub3A_168, %min3A_165 : vector<16xi32>
    %mul3A_170 = arith.muli %min3A_165, %sub3A_169 : vector<16xi32>
    %shift_right_logical3A_171 = arith.constant 1 : i32
    %shift_right_logical3A_172 = vector.broadcast %shift_right_logical3A_171 : i32 to vector<16xi32>
    %shift_right_logical3A_173 = arith.shrui %mul3A_170, %shift_right_logical3A_172 : vector<16xi32>
    %sub3A_174 = arith.subi %max3A_166, %min3A_165 : vector<16xi32>
    %sub3A_175 = arith.constant 1 : i32
    %sub3A_176 = vector.broadcast %sub3A_175 : i32 to vector<16xi32>
    %sub3A_177 = arith.subi %sub3A_174, %sub3A_176 : vector<16xi32>
    %add3A_178 = arith.addi %shift_right_logical3A_173, %sub3A_177 : vector<16xi32>
    %add3A_179 = arith.constant 64 : i32
    %add3A_180 = arith.addi %mul3A_2, %add3A_179 : i32
    %add3A_181 = vector.broadcast %add3A_180 : i32 to vector<16xi32>
    %add3A_182 = arith.addi %add3A_181, %iota3A : vector<16xi32>
    %mul3A_183 = arith.constant 52429 : i32
    %mul3A_184 = vector.broadcast %mul3A_183 : i32 to vector<16xi32>
    %mul3A_185 = arith.muli %add3A_182, %mul3A_184 : vector<16xi32>
    %shift_right_logical3A_186 = arith.constant 19 : i32
    %shift_right_logical3A_187 = vector.broadcast %shift_right_logical3A_186 : i32 to vector<16xi32>
    %shift_right_logical3A_188 = arith.shrui %mul3A_185, %shift_right_logical3A_187 : vector<16xi32>
    %mul3A_189 = arith.constant 28 : i32
    %mul3A_190 = vector.broadcast %mul3A_189 : i32 to vector<16xi32>
    %mul3A_191 = arith.muli %shift_right_logical3A_188, %mul3A_190 : vector<16xi32>
    %add3A_192 = arith.addi %mul3A_191, %add3A_178 : vector<16xi32>
    %swap3A_193 = arith.constant 0 : i32
    %swap3A_194 = arith.index_cast %swap3A_193 : i32 to index
    %swap3A_195 = arith.constant 64 : index
    %swap3A_196 = tpu.vector_load %arg7[%swap3A_194, %swap3A_195] {strides = array<i32>} : memref<2x80xi32, #tpu.memory_space<vmem>>, vector<1x16xi32>,
    %swap3A_197 = vector.shape_cast %swap3A_196 : vector<1x16xi32> to vector<16xi32>
    %swap3A_198 = vector.shape_cast %add3A_192 : vector<16xi32> to vector<1x16xi32>
    tpu.vector_store %arg7[%swap3A_194, %swap3A_195], %swap3A_198 {strides = array<i32>} : memref<2x80xi32, #tpu.memory_space<vmem>>, vector<1x16xi32>,
    %get3A_199 = arith.constant 80 : index
    %get3A_200 = tpu.vector_load %arg5[%get3A_199] {strides = array<i32>} : memref<160xi32, #tpu.memory_space<vmem>>, vector<16xi32>,
    %get3A_201 = vector.shape_cast %get3A_200 : vector<16xi32> to vector<16xi32>
    %get3A_202 = arith.constant 80 : index
    %get3A_203 = tpu.vector_load %arg6[%get3A_202] {strides = array<i32>} : memref<160xi32, #tpu.memory_space<vmem>>, vector<16xi32>,
    %get3A_204 = vector.shape_cast %get3A_203 : vector<16xi32> to vector<16xi32>
    %min3A_205 = arith.minsi %get3A_201, %get3A_204 : vector<16xi32>
    %max3A_206 = arith.maxsi %get3A_201, %get3A_204 : vector<16xi32>
    %sub3A_207 = arith.constant 15 : i32
    %sub3A_208 = vector.broadcast %sub3A_207 : i32 to vector<16xi32>
    %sub3A_209 = arith.subi %sub3A_208, %min3A_205 : vector<16xi32>
    %mul3A_210 = arith.muli %min3A_205, %sub3A_209 : vector<16xi32>
    %shift_right_logical3A_211 = arith.constant 1 : i32
    %shift_right_logical3A_212 = vector.broadcast %shift_right_logical3A_211 : i32 to vector<16xi32>
    %shift_right_logical3A_213 = arith.shrui %mul3A_210, %shift_right_logical3A_212 : vector<16xi32>
    %sub3A_214 = arith.subi %max3A_206, %min3A_205 : vector<16xi32>
    %sub3A_215 = arith.constant 1 : i32
    %sub3A_216 = vector.broadcast %sub3A_215 : i32 to vector<16xi32>
    %sub3A_217 = arith.subi %sub3A_214, %sub3A_216 : vector<16xi32>
    %add3A_218 = arith.addi %shift_right_logical3A_213, %sub3A_217 : vector<16xi32>
    %add3A_219 = arith.constant 80 : i32
    %add3A_220 = arith.addi %mul3A_2, %add3A_219 : i32
    %add3A_221 = vector.broadcast %add3A_220 : i32 to vector<16xi32>
    %add3A_222 = arith.addi %add3A_221, %iota3A : vector<16xi32>
    %mul3A_223 = arith.constant 52429 : i32
    %mul3A_224 = vector.broadcast %mul3A_223 : i32 to vector<16xi32>
    %mul3A_225 = arith.muli %add3A_222, %mul3A_224 : vector<16xi32>
    %shift_right_logical3A_226 = arith.constant 19 : i32
    %shift_right_logical3A_227 = vector.broadcast %shift_right_logical3A_226 : i32 to vector<16xi32>
    %shift_right_logical3A_228 = arith.shrui %mul3A_225, %shift_right_logical3A_227 : vector<16xi32>
    %mul3A_229 = arith.constant 28 : i32
    %mul3A_230 = vector.broadcast %mul3A_229 : i32 to vector<16xi32>
    %mul3A_231 = arith.muli %shift_right_logical3A_228, %mul3A_230 : vector<16xi32>
    %add3A_232 = arith.addi %mul3A_231, %add3A_218 : vector<16xi32>
    %swap3A_233 = arith.constant 1 : i32
    %swap3A_234 = arith.index_cast %swap3A_233 : i32 to index
    %swap3A_235 = arith.constant 0 : index
    %swap3A_236 = tpu.vector_load %arg7[%swap3A_234, %swap3A_235] {strides = array<i32>} : memref<2x80xi32, #tpu.memory_space<vmem>>, vector<1x16xi32>,
    %swap3A_237 = vector.shape_cast %swap3A_236 : vector<1x16xi32> to vector<16xi32>
    %swap3A_238 = vector.shape_cast %add3A_232 : vector<16xi32> to vector<1x16xi32>
    tpu.vector_store %arg7[%swap3A_234, %swap3A_235], %swap3A_238 {strides = array<i32>} : memref<2x80xi32, #tpu.memory_space<vmem>>, vector<1x16xi32>,
    %get3A_239 = arith.constant 96 : index
    %get3A_240 = tpu.vector_load %arg5[%get3A_239] {strides = array<i32>} : memref<160xi32, #tpu.memory_space<vmem>>, vector<16xi32>,
    %get3A_241 = vector.shape_cast %get3A_240 : vector<16xi32> to vector<16xi32>
    %get3A_242 = arith.constant 96 : index
    %get3A_243 = tpu.vector_load %arg6[%get3A_242] {strides = array<i32>} : memref<160xi32, #tpu.memory_space<vmem>>, vector<16xi32>,
    %get3A_244 = vector.shape_cast %get3A_243 : vector<16xi32> to vector<16xi32>
    %min3A_245 = arith.minsi %get3A_241, %get3A_244 : vector<16xi32>
    %max3A_246 = arith.maxsi %get3A_241, %get3A_244 : vector<16xi32>
    %sub3A_247 = arith.constant 15 : i32
    %sub3A_248 = vector.broadcast %sub3A_247 : i32 to vector<16xi32>
    %sub3A_249 = arith.subi %sub3A_248, %min3A_245 : vector<16xi32>
    %mul3A_250 = arith.muli %min3A_245, %sub3A_249 : vector<16xi32>
    %shift_right_logical3A_251 = arith.constant 1 : i32
    %shift_right_logical3A_252 = vector.broadcast %shift_right_logical3A_251 : i32 to vector<16xi32>
    %shift_right_logical3A_253 = arith.shrui %mul3A_250, %shift_right_logical3A_252 : vector<16xi32>
    %sub3A_254 = arith.subi %max3A_246, %min3A_245 : vector<16xi32>
    %sub3A_255 = arith.constant 1 : i32
    %sub3A_256 = vector.broadcast %sub3A_255 : i32 to vector<16xi32>
    %sub3A_257 = arith.subi %sub3A_254, %sub3A_256 : vector<16xi32>
    %add3A_258 = arith.addi %shift_right_logical3A_253, %sub3A_257 : vector<16xi32>
    %add3A_259 = arith.constant 96 : i32
    %add3A_260 = arith.addi %mul3A_2, %add3A_259 : i32
    %add3A_261 = vector.broadcast %add3A_260 : i32 to vector<16xi32>
    %add3A_262 = arith.addi %add3A_261, %iota3A : vector<16xi32>
    %mul3A_263 = arith.constant 52429 : i32
    %mul3A_264 = vector.broadcast %mul3A_263 : i32 to vector<16xi32>
    %mul3A_265 = arith.muli %add3A_262, %mul3A_264 : vector<16xi32>
    %shift_right_logical3A_266 = arith.constant 19 : i32
    %shift_right_logical3A_267 = vector.broadcast %shift_right_logical3A_266 : i32 to vector<16xi32>
    %shift_right_logical3A_268 = arith.shrui %mul3A_265, %shift_right_logical3A_267 : vector<16xi32>
    %mul3A_269 = arith.constant 28 : i32
    %mul3A_270 = vector.broadcast %mul3A_269 : i32 to vector<16xi32>
    %mul3A_271 = arith.muli %shift_right_logical3A_268, %mul3A_270 : vector<16xi32>
    %add3A_272 = arith.addi %mul3A_271, %add3A_258 : vector<16xi32>
    %swap3A_273 = arith.constant 1 : i32
    %swap3A_274 = arith.index_cast %swap3A_273 : i32 to index
    %swap3A_275 = arith.constant 16 : index
    %swap3A_276 = tpu.vector_load %arg7[%swap3A_274, %swap3A_275] {strides = array<i32>} : memref<2x80xi32, #tpu.memory_space<vmem>>, vector<1x16xi32>,
    %swap3A_277 = vector.shape_cast %swap3A_276 : vector<1x16xi32> to vector<16xi32>
    %swap3A_278 = vector.shape_cast %add3A_272 : vector<16xi32> to vector<1x16xi32>
    tpu.vector_store %arg7[%swap3A_274, %swap3A_275], %swap3A_278 {strides = array<i32>} : memref<2x80xi32, #tpu.memory_space<vmem>>, vector<1x16xi32>,
    %get3A_279 = arith.constant 112 : index
    %get3A_280 = tpu.vector_load %arg5[%get3A_279] {strides = array<i32>} : memref<160xi32, #tpu.memory_space<vmem>>, vector<16xi32>,
    %get3A_281 = vector.shape_cast %get3A_280 : vector<16xi32> to vector<16xi32>
    %get3A_282 = arith.constant 112 : index
    %get3A_283 = tpu.vector_load %arg6[%get3A_282] {strides = array<i32>} : memref<160xi32, #tpu.memory_space<vmem>>, vector<16xi32>,
    %get3A_284 = vector.shape_cast %get3A_283 : vector<16xi32> to vector<16xi32>
    %min3A_285 = arith.minsi %get3A_281, %get3A_284 : vector<16xi32>
    %max3A_286 = arith.maxsi %get3A_281, %get3A_284 : vector<16xi32>
    %sub3A_287 = arith.constant 15 : i32
    %sub3A_288 = vector.broadcast %sub3A_287 : i32 to vector<16xi32>
    %sub3A_289 = arith.subi %sub3A_288, %min3A_285 : vector<16xi32>
    %mul3A_290 = arith.muli %min3A_285, %sub3A_289 : vector<16xi32>
    %shift_right_logical3A_291 = arith.constant 1 : i32
    %shift_right_logical3A_292 = vector.broadcast %shift_right_logical3A_291 : i32 to vector<16xi32>
    %shift_right_logical3A_293 = arith.shrui %mul3A_290, %shift_right_logical3A_292 : vector<16xi32>
    %sub3A_294 = arith.subi %max3A_286, %min3A_285 : vector<16xi32>
    %sub3A_295 = arith.constant 1 : i32
    %sub3A_296 = vector.broadcast %sub3A_295 : i32 to vector<16xi32>
    %sub3A_297 = arith.subi %sub3A_294, %sub3A_296 : vector<16xi32>
    %add3A_298 = arith.addi %shift_right_logical3A_293, %sub3A_297 : vector<16xi32>
    %add3A_299 = arith.constant 112 : i32
    %add3A_300 = arith.addi %mul3A_2, %add3A_299 : i32
    %add3A_301 = vector.broadcast %add3A_300 : i32 to vector<16xi32>
    %add3A_302 = arith.addi %add3A_301, %iota3A : vector<16xi32>
    %mul3A_303 = arith.constant 52429 : i32
    %mul3A_304 = vector.broadcast %mul3A_303 : i32 to vector<16xi32>
    %mul3A_305 = arith.muli %add3A_302, %mul3A_304 : vector<16xi32>
    %shift_right_logical3A_306 = arith.constant 19 : i32
    %shift_right_logical3A_307 = vector.broadcast %shift_right_logical3A_306 : i32 to vector<16xi32>
    %shift_right_logical3A_308 = arith.shrui %mul3A_305, %shift_right_logical3A_307 : vector<16xi32>
    %mul3A_309 = arith.constant 28 : i32
    %mul3A_310 = vector.broadcast %mul3A_309 : i32 to vector<16xi32>
    %mul3A_311 = arith.muli %shift_right_logical3A_308, %mul3A_310 : vector<16xi32>
    %add3A_312 = arith.addi %mul3A_311, %add3A_298 : vector<16xi32>
    %swap3A_313 = arith.constant 1 : i32
    %swap3A_314 = arith.index_cast %swap3A_313 : i32 to index
    %swap3A_315 = arith.constant 32 : index
    %swap3A_316 = tpu.vector_load %arg7[%swap3A_314, %swap3A_315] {strides = array<i32>} : memref<2x80xi32, #tpu.memory_space<vmem>>, vector<1x16xi32>,
    %swap3A_317 = vector.shape_cast %swap3A_316 : vector<1x16xi32> to vector<16xi32>
    %swap3A_318 = vector.shape_cast %add3A_312 : vector<16xi32> to vector<1x16xi32>
    tpu.vector_store %arg7[%swap3A_314, %swap3A_315], %swap3A_318 {strides = array<i32>} : memref<2x80xi32, #tpu.memory_space<vmem>>, vector<1x16xi32>,
    %get3A_319 = arith.constant 128 : index
    %get3A_320 = tpu.vector_load %arg5[%get3A_319] {strides = array<i32>} : memref<160xi32, #tpu.memory_space<vmem>>, vector<16xi32>,
    %get3A_321 = vector.shape_cast %get3A_320 : vector<16xi32> to vector<16xi32>
    %get3A_322 = arith.constant 128 : index
    %get3A_323 = tpu.vector_load %arg6[%get3A_322] {strides = array<i32>} : memref<160xi32, #tpu.memory_space<vmem>>, vector<16xi32>,
    %get3A_324 = vector.shape_cast %get3A_323 : vector<16xi32> to vector<16xi32>
    %min3A_325 = arith.minsi %get3A_321, %get3A_324 : vector<16xi32>
    %max3A_326 = arith.maxsi %get3A_321, %get3A_324 : vector<16xi32>
    %sub3A_327 = arith.constant 15 : i32
    %sub3A_328 = vector.broadcast %sub3A_327 : i32 to vector<16xi32>
    %sub3A_329 = arith.subi %sub3A_328, %min3A_325 : vector<16xi32>
    %mul3A_330 = arith.muli %min3A_325, %sub3A_329 : vector<16xi32>
    %shift_right_logical3A_331 = arith.constant 1 : i32
    %shift_right_logical3A_332 = vector.broadcast %shift_right_logical3A_331 : i32 to vector<16xi32>
    %shift_right_logical3A_333 = arith.shrui %mul3A_330, %shift_right_logical3A_332 : vector<16xi32>
    %sub3A_334 = arith.subi %max3A_326, %min3A_325 : vector<16xi32>
    %sub3A_335 = arith.constant 1 : i32
    %sub3A_336 = vector.broadcast %sub3A_335 : i32 to vector<16xi32>
    %sub3A_337 = arith.subi %sub3A_334, %sub3A_336 : vector<16xi32>
    %add3A_338 = arith.addi %shift_right_logical3A_333, %sub3A_337 : vector<16xi32>
    %add3A_339 = arith.constant 128 : i32
    %add3A_340 = arith.addi %mul3A_2, %add3A_339 : i32
    %add3A_341 = vector.broadcast %add3A_340 : i32 to vector<16xi32>
    %add3A_342 = arith.addi %add3A_341, %iota3A : vector<16xi32>
    %mul3A_343 = arith.constant 52429 : i32
    %mul3A_344 = vector.broadcast %mul3A_343 : i32 to vector<16xi32>
    %mul3A_345 = arith.muli %add3A_342, %mul3A_344 : vector<16xi32>
    %shift_right_logical3A_346 = arith.constant 19 : i32
    %shift_right_logical3A_347 = vector.broadcast %shift_right_logical3A_346 : i32 to vector<16xi32>
    %shift_right_logical3A_348 = arith.shrui %mul3A_345, %shift_right_logical3A_347 : vector<16xi32>
    %mul3A_349 = arith.constant 28 : i32
    %mul3A_350 = vector.broadcast %mul3A_349 : i32 to vector<16xi32>
    %mul3A_351 = arith.muli %shift_right_logical3A_348, %mul3A_350 : vector<16xi32>
    %add3A_352 = arith.addi %mul3A_351, %add3A_338 : vector<16xi32>
    %swap3A_353 = arith.constant 1 : i32
    %swap3A_354 = arith.index_cast %swap3A_353 : i32 to index
    %swap3A_355 = arith.constant 48 : index
    %swap3A_356 = tpu.vector_load %arg7[%swap3A_354, %swap3A_355] {strides = array<i32>} : memref<2x80xi32, #tpu.memory_space<vmem>>, vector<1x16xi32>,
    %swap3A_357 = vector.shape_cast %swap3A_356 : vector<1x16xi32> to vector<16xi32>
    %swap3A_358 = vector.shape_cast %add3A_352 : vector<16xi32> to vector<1x16xi32>
    tpu.vector_store %arg7[%swap3A_354, %swap3A_355], %swap3A_358 {strides = array<i32>} : memref<2x80xi32, #tpu.memory_space<vmem>>, vector<1x16xi32>,
    %get3A_359 = arith.constant 144 : index
    %get3A_360 = tpu.vector_load %arg5[%get3A_359] {strides = array<i32>} : memref<160xi32, #tpu.memory_space<vmem>>, vector<16xi32>,
    %get3A_361 = vector.shape_cast %get3A_360 : vector<16xi32> to vector<16xi32>
    %get3A_362 = arith.constant 144 : index
    %get3A_363 = tpu.vector_load %arg6[%get3A_362] {strides = array<i32>} : memref<160xi32, #tpu.memory_space<vmem>>, vector<16xi32>,
    %get3A_364 = vector.shape_cast %get3A_363 : vector<16xi32> to vector<16xi32>
    %min3A_365 = arith.minsi %get3A_361, %get3A_364 : vector<16xi32>
    %max3A_366 = arith.maxsi %get3A_361, %get3A_364 : vector<16xi32>
    %sub3A_367 = arith.constant 15 : i32
    %sub3A_368 = vector.broadcast %sub3A_367 : i32 to vector<16xi32>
    %sub3A_369 = arith.subi %sub3A_368, %min3A_365 : vector<16xi32>
    %mul3A_370 = arith.muli %min3A_365, %sub3A_369 : vector<16xi32>
    %shift_right_logical3A_371 = arith.constant 1 : i32
    %shift_right_logical3A_372 = vector.broadcast %shift_right_logical3A_371 : i32 to vector<16xi32>
    %shift_right_logical3A_373 = arith.shrui %mul3A_370, %shift_right_logical3A_372 : vector<16xi32>
    %sub3A_374 = arith.subi %max3A_366, %min3A_365 : vector<16xi32>
    %sub3A_375 = arith.constant 1 : i32
    %sub3A_376 = vector.broadcast %sub3A_375 : i32 to vector<16xi32>
    %sub3A_377 = arith.subi %sub3A_374, %sub3A_376 : vector<16xi32>
    %add3A_378 = arith.addi %shift_right_logical3A_373, %sub3A_377 : vector<16xi32>
    %add3A_379 = arith.constant 144 : i32
    %add3A_380 = arith.addi %mul3A_2, %add3A_379 : i32
    %add3A_381 = vector.broadcast %add3A_380 : i32 to vector<16xi32>
    %add3A_382 = arith.addi %add3A_381, %iota3A : vector<16xi32>
    %mul3A_383 = arith.constant 52429 : i32
    %mul3A_384 = vector.broadcast %mul3A_383 : i32 to vector<16xi32>
    %mul3A_385 = arith.muli %add3A_382, %mul3A_384 : vector<16xi32>
    %shift_right_logical3A_386 = arith.constant 19 : i32
    %shift_right_logical3A_387 = vector.broadcast %shift_right_logical3A_386 : i32 to vector<16xi32>
    %shift_right_logical3A_388 = arith.shrui %mul3A_385, %shift_right_logical3A_387 : vector<16xi32>
    %mul3A_389 = arith.constant 28 : i32
    %mul3A_390 = vector.broadcast %mul3A_389 : i32 to vector<16xi32>
    %mul3A_391 = arith.muli %shift_right_logical3A_388, %mul3A_390 : vector<16xi32>
    %add3A_392 = arith.addi %mul3A_391, %add3A_378 : vector<16xi32>
    %swap3A_393 = arith.constant 1 : i32
    %swap3A_394 = arith.index_cast %swap3A_393 : i32 to index
    %swap3A_395 = arith.constant 64 : index
    %swap3A_396 = tpu.vector_load %arg7[%swap3A_394, %swap3A_395] {strides = array<i32>} : memref<2x80xi32, #tpu.memory_space<vmem>>, vector<1x16xi32>,
    %swap3A_397 = vector.shape_cast %swap3A_396 : vector<1x16xi32> to vector<16xi32>
    %swap3A_398 = vector.shape_cast %add3A_392 : vector<16xi32> to vector<1x16xi32>
    tpu.vector_store %arg7[%swap3A_394, %swap3A_395], %swap3A_398 {strides = array<i32>} : memref<2x80xi32, #tpu.memory_space<vmem>>, vector<1x16xi32>,
    %dma_start3A = arith.constant 0 : i32
    %dma_start3A_399 = arith.constant 0 : i32
    %dma_start3A_400 = arith.constant 0 : i32
    %dma_start3A_401 = tpu.memref_slice %arg8[%dma_start3A_399, %dma_start3A_400] : memref<160x128xf32, #tpu.memory_space<vmem>> -> memref<80x128xf32, #tpu.memory_space<vmem>>
    %dma_start3A_402 = arith.constant 0 : i32
    %dma_start3A_403 = tpu.memref_slice %arg7[%dma_start3A, %dma_start3A_402] : memref<2x80xi32, #tpu.memory_space<vmem>> -> memref<1x80xi32, #tpu.memory_space<vmem>>
    %dma_start3A_404 = tpu.memref_squeeze %dma_start3A_403 : memref<1x80xi32, #tpu.memory_space<vmem>> -> memref<80xi32, #tpu.memory_space<vmem>>
    %dma_start3A_405 = arith.constant 0 : i32
    %dma_start3A_406 = arith.constant 0 : i32
    %dma_start3A_407 = tpu.memref_slice %arg2[%dma_start3A_405, %dma_start3A_406] : memref<14336x128xf32, #tpu.memory_space<hbm>> -> memref<14336x128xf32, #tpu.memory_space<hbm>>
    tpu.enqueue_indirect_dma source(%dma_start3A_407 : memref<14336x128xf32, #tpu.memory_space<hbm>>) target(%dma_start3A_401 : memref<80x128xf32, #tpu.memory_space<vmem>>) offsets(%dma_start3A_404 : memref<80xi32, #tpu.memory_space<vmem>>) semaphore(%arg9 : memref<!tpu.dma_semaphore, #tpu.memory_space<semaphore_mem>>)
    %dma_start3A_408 = arith.constant 1 : i32
    %dma_start3A_409 = arith.constant 80 : i32
    %dma_start3A_410 = arith.constant 0 : i32
    %dma_start3A_411 = tpu.memref_slice %arg8[%dma_start3A_409, %dma_start3A_410] : memref<160x128xf32, #tpu.memory_space<vmem>> -> memref<80x128xf32, #tpu.memory_space<vmem>>
    %dma_start3A_412 = arith.constant 0 : i32
    %dma_start3A_413 = tpu.memref_slice %arg7[%dma_start3A_408, %dma_start3A_412] : memref<2x80xi32, #tpu.memory_space<vmem>> -> memref<1x80xi32, #tpu.memory_space<vmem>>
    %dma_start3A_414 = tpu.memref_squeeze %dma_start3A_413 : memref<1x80xi32, #tpu.memory_space<vmem>> -> memref<80xi32, #tpu.memory_space<vmem>>
    %dma_start3A_415 = arith.constant 0 : i32
    %dma_start3A_416 = arith.constant 0 : i32
    %dma_start3A_417 = tpu.memref_slice %arg2[%dma_start3A_415, %dma_start3A_416] : memref<14336x128xf32, #tpu.memory_space<hbm>> -> memref<14336x128xf32, #tpu.memory_space<hbm>>
    tpu.enqueue_indirect_dma source(%dma_start3A_417 : memref<14336x128xf32, #tpu.memory_space<hbm>>) target(%dma_start3A_411 : memref<80x128xf32, #tpu.memory_space<vmem>>) offsets(%dma_start3A_414 : memref<80xi32, #tpu.memory_space<vmem>>) semaphore(%arg9 : memref<!tpu.dma_semaphore, #tpu.memory_space<semaphore_mem>>)
    %dma_wait3A = arith.constant 0 : i32
    %dma_wait3A_418 = arith.constant 0 : i32
    %dma_wait3A_419 = arith.constant 0 : i32
    %dma_wait3A_420 = tpu.memref_slice %arg8[%dma_wait3A_418, %dma_wait3A_419] : memref<160x128xf32, #tpu.memory_space<vmem>> -> memref<80x128xf32, #tpu.memory_space<vmem>>
    %dma_wait3A_421 = arith.constant 0 : i32
    %dma_wait3A_422 = tpu.memref_slice %arg7[%dma_wait3A, %dma_wait3A_421] : memref<2x80xi32, #tpu.memory_space<vmem>> -> memref<1x80xi32, #tpu.memory_space<vmem>>
    %dma_wait3A_423 = tpu.memref_squeeze %dma_wait3A_422 : memref<1x80xi32, #tpu.memory_space<vmem>> -> memref<80xi32, #tpu.memory_space<vmem>>
    %dma_wait3A_424 = arith.constant 0 : i32
    %dma_wait3A_425 = arith.constant 0 : i32
    %dma_wait3A_426 = tpu.memref_slice %arg2[%dma_wait3A_424, %dma_wait3A_425] : memref<14336x128xf32, #tpu.memory_space<hbm>> -> memref<14336x128xf32, #tpu.memory_space<hbm>>
    tpu.wait_indirect_dma semaphore(%arg9 : memref<!tpu.dma_semaphore, #tpu.memory_space<semaphore_mem>>) src(%dma_wait3A_426 : memref<14336x128xf32, #tpu.memory_space<hbm>>) dst(%dma_wait3A_420 : memref<80x128xf32, #tpu.memory_space<vmem>>)
    %add3A_427 = arith.constant 0 : i32
    %add3A_428 = arith.addi %mul3A_2, %add3A_427 : i32
    %dma_start3A_429 = arith.constant 0 : i32
    %dma_start3A_430 = arith.constant 0 : i32
    %dma_start3A_431 = tpu.memref_slice %arg8[%dma_start3A_429, %dma_start3A_430] : memref<160x128xf32, #tpu.memory_space<vmem>> -> memref<80x128xf32, #tpu.memory_space<vmem>>
    %dma_start3A_432 = arith.constant 0 : i32
    %dma_start3A_433 = tpu.memref_slice %arg4[%add3A_428, %dma_start3A_432] : memref<5120x128xf32, #tpu.memory_space<hbm>> -> memref<80x128xf32, #tpu.memory_space<hbm>>
    %dma_start3A_434 = arith.constant 0 : i32
    %dma_start3A_435 = tpu.memref_slice %arg4[%add3A_428, %dma_start3A_434] : memref<5120x128xf32, #tpu.memory_space<hbm>> -> memref<80x128xf32, #tpu.memory_space<hbm>>
    %dma_start3A_436 = arith.constant 0 : i32
    %dma_start3A_437 = arith.constant 0 : i32
    %dma_start3A_438 = tpu.memref_slice %arg8[%dma_start3A_436, %dma_start3A_437] : memref<160x128xf32, #tpu.memory_space<vmem>> -> memref<80x128xf32, #tpu.memory_space<vmem>>
    tpu.enqueue_dma source(%dma_start3A_438 : memref<80x128xf32, #tpu.memory_space<vmem>>) target(%dma_start3A_435 : memref<80x128xf32, #tpu.memory_space<hbm>>) target_semaphore(%arg10 : memref<!tpu.dma_semaphore, #tpu.memory_space<semaphore_mem>>)
    %dma_wait3A_439 = arith.constant 1 : i32
    %dma_wait3A_440 = arith.constant 80 : i32
    %dma_wait3A_441 = arith.constant 0 : i32
    %dma_wait3A_442 = tpu.memref_slice %arg8[%dma_wait3A_440, %dma_wait3A_441] : memref<160x128xf32, #tpu.memory_space<vmem>> -> memref<80x128xf32, #tpu.memory_space<vmem>>
    %dma_wait3A_443 = arith.constant 0 : i32
    %dma_wait3A_444 = tpu.memref_slice %arg7[%dma_wait3A_439, %dma_wait3A_443] : memref<2x80xi32, #tpu.memory_space<vmem>> -> memref<1x80xi32, #tpu.memory_space<vmem>>
    %dma_wait3A_445 = tpu.memref_squeeze %dma_wait3A_444 : memref<1x80xi32, #tpu.memory_space<vmem>> -> memref<80xi32, #tpu.memory_space<vmem>>
    %dma_wait3A_446 = arith.constant 0 : i32
    %dma_wait3A_447 = arith.constant 0 : i32
    %dma_wait3A_448 = tpu.memref_slice %arg2[%dma_wait3A_446, %dma_wait3A_447] : memref<14336x128xf32, #tpu.memory_space<hbm>> -> memref<14336x128xf32, #tpu.memory_space<hbm>>
    tpu.wait_indirect_dma semaphore(%arg9 : memref<!tpu.dma_semaphore, #tpu.memory_space<semaphore_mem>>) src(%dma_wait3A_448 : memref<14336x128xf32, #tpu.memory_space<hbm>>) dst(%dma_wait3A_442 : memref<80x128xf32, #tpu.memory_space<vmem>>)
    %add3A_449 = arith.constant 80 : i32
    %add3A_450 = arith.addi %mul3A_2, %add3A_449 : i32
    %dma_start3A_451 = arith.constant 80 : i32
    %dma_start3A_452 = arith.constant 0 : i32
    %dma_start3A_453 = tpu.memref_slice %arg8[%dma_start3A_451, %dma_start3A_452] : memref<160x128xf32, #tpu.memory_space<vmem>> -> memref<80x128xf32, #tpu.memory_space<vmem>>
    %dma_start3A_454 = arith.constant 0 : i32
    %dma_start3A_455 = tpu.memref_slice %arg4[%add3A_450, %dma_start3A_454] : memref<5120x128xf32, #tpu.memory_space<hbm>> -> memref<80x128xf32, #tpu.memory_space<hbm>>
    %dma_start3A_456 = arith.constant 0 : i32
    %dma_start3A_457 = tpu.memref_slice %arg4[%add3A_450, %dma_start3A_456] : memref<5120x128xf32, #tpu.memory_space<hbm>> -> memref<80x128xf32, #tpu.memory_space<hbm>>
    %dma_start3A_458 = arith.constant 80 : i32
    %dma_start3A_459 = arith.constant 0 : i32
    %dma_start3A_460 = tpu.memref_slice %arg8[%dma_start3A_458, %dma_start3A_459] : memref<160x128xf32, #tpu.memory_space<vmem>> -> memref<80x128xf32, #tpu.memory_space<vmem>>
    tpu.enqueue_dma source(%dma_start3A_460 : memref<80x128xf32, #tpu.memory_space<vmem>>) target(%dma_start3A_457 : memref<80x128xf32, #tpu.memory_space<hbm>>) target_semaphore(%arg10 : memref<!tpu.dma_semaphore, #tpu.memory_space<semaphore_mem>>)
    %dma_wait3A_461 = arith.constant 0 : i32
    %dma_wait3A_462 = arith.constant 0 : i32
    %dma_wait3A_463 = tpu.memref_slice %arg8[%dma_wait3A_461, %dma_wait3A_462] : memref<160x128xf32, #tpu.memory_space<vmem>> -> memref<80x128xf32, #tpu.memory_space<vmem>>
    %dma_wait3A_464 = arith.constant 0 : i32
    %dma_wait3A_465 = tpu.memref_slice %arg4[%add3A_428, %dma_wait3A_464] : memref<5120x128xf32, #tpu.memory_space<hbm>> -> memref<80x128xf32, #tpu.memory_space<hbm>>
    %dma_wait3A_466 = arith.constant 0 : i32
    %dma_wait3A_467 = tpu.memref_slice %arg4[%add3A_428, %dma_wait3A_466] : memref<5120x128xf32, #tpu.memory_space<hbm>> -> memref<80x128xf32, #tpu.memory_space<hbm>>
    %dma_wait3A_468 = arith.constant 0 : i32
    %dma_wait3A_469 = arith.constant 0 : i32
    %dma_wait3A_470 = tpu.memref_slice %arg8[%dma_wait3A_468, %dma_wait3A_469] : memref<160x128xf32, #tpu.memory_space<vmem>> -> memref<80x128xf32, #tpu.memory_space<vmem>>
    tpu.wait_dma2 semaphore(%arg10 : memref<!tpu.dma_semaphore, #tpu.memory_space<semaphore_mem>>) src(%dma_wait3A_470 : memref<80x128xf32, #tpu.memory_space<vmem>>) dst(%dma_wait3A_467 : memref<80x128xf32, #tpu.memory_space<hbm>>)
    %dma_wait3A_471 = arith.constant 80 : i32
    %dma_wait3A_472 = arith.constant 0 : i32
    %dma_wait3A_473 = tpu.memref_slice %arg8[%dma_wait3A_471, %dma_wait3A_472] : memref<160x128xf32, #tpu.memory_space<vmem>> -> memref<80x128xf32, #tpu.memory_space<vmem>>
    %dma_wait3A_474 = arith.constant 0 : i32
    %dma_wait3A_475 = tpu.memref_slice %arg4[%add3A_450, %dma_wait3A_474] : memref<5120x128xf32, #tpu.memory_space<hbm>> -> memref<80x128xf32, #tpu.memory_space<hbm>>
    %dma_wait3A_476 = arith.constant 0 : i32
    %dma_wait3A_477 = tpu.memref_slice %arg4[%add3A_450, %dma_wait3A_476] : memref<5120x128xf32, #tpu.memory_space<hbm>> -> memref<80x128xf32, #tpu.memory_space<hbm>>
    %dma_wait3A_478 = arith.constant 80 : i32
    %dma_wait3A_479 = arith.constant 0 : i32
    %dma_wait3A_480 = tpu.memref_slice %arg8[%dma_wait3A_478, %dma_wait3A_479] : memref<160x128xf32, #tpu.memory_space<vmem>> -> memref<80x128xf32, #tpu.memory_space<vmem>>
    tpu.wait_dma2 semaphore(%arg10 : memref<!tpu.dma_semaphore, #tpu.memory_space<semaphore_mem>>) src(%dma_wait3A_480 : memref<80x128xf32, #tpu.memory_space<vmem>>) dst(%dma_wait3A_477 : memref<80x128xf32, #tpu.memory_space<hbm>>)
    return
  }
}

module attributes {stable_mosaic.version = 14 : i64} {
  func.func @_tc_kernel(%arg0: i32, %arg1: memref<256x28x128xf32, #tpu.memory_space<vmem>>, %arg2: memref<256x10x128xf32, #tpu.memory_space<vmem>>, %arg3: memref<128x128xf32, #tpu.memory_space<vmem>>, %arg4: memref<128x128xf32, #tpu.memory_space<vmem>>, %arg5: memref<1x1x128xf32, #tpu.memory_space<vmem>>, %arg6: memref<256x10x128xf32, #tpu.memory_space<vmem>>) attributes {dimension_semantics = [#tpu.dimension_semantics<arbitrary>], iteration_bounds = array<i64: 2>, scalar_prefetch = 0 : i64, scratch_operands = 0 : i64, tpu.core_type = #tpu.core_type<tc>, window_params = [{transform_indices = @transform_0, window_bounds = array<i64: 256, 28, 128>}, {transform_indices = @transform_1, window_bounds = array<i64: 256, 10, 128>}, {pipeline_mode = #tpu.pipeline_mode<synchronous>, transform_indices = @transform_2, window_bounds = array<i64: 128, 128>}, {pipeline_mode = #tpu.pipeline_mode<synchronous>, transform_indices = @transform_3, window_bounds = array<i64: 128, 128>}, {pipeline_mode = #tpu.pipeline_mode<synchronous>, transform_indices = @transform_4, window_bounds = array<i64: 1, 1, 128>}, {transform_indices = @transform_5, window_bounds = array<i64: 256, 10, 128>}]} {
    %get3A = arith.constant 0 : index
    %get3A_0 = arith.constant 0 : index
    %get3A_1 = arith.constant 0 : index
    %get3A_2 = vector.load %arg1[%get3A, %get3A_0, %get3A_1] : memref<256x28x128xf32, #tpu.memory_space<vmem>>, vector<256x28x128xf32>
    %get3A_3 = arith.constant 0 : index
    %get3A_4 = arith.constant 0 : index
    %get3A_5 = arith.constant 0 : index
    %get3A_6 = vector.load %arg2[%get3A_3, %get3A_4, %get3A_5] : memref<256x10x128xf32, #tpu.memory_space<vmem>>, vector<256x10x128xf32>
    %reshape3A = vector.shape_cast %get3A_6 : vector<256x10x128xf32> to vector<2560x128xf32>
    %reduce_sum3A = arith.constant dense<0.000000e+00> : vector<256x128xf32>
    %reduce_sum3A_7 = vector.multi_reduction <add>, %get3A_2, %reduce_sum3A [1] : vector<256x28x128xf32> to vector<256x128xf32>
    %get3A_8 = arith.constant 0 : index
    %get3A_9 = arith.constant 0 : index
    %get3A_10 = vector.load %arg3[%get3A_8, %get3A_9] : memref<128x128xf32, #tpu.memory_space<vmem>>, vector<128x128xf32>
    %dot_general3A = arith.constant dense<0.000000e+00> : vector<256x128xf32>
    %dot_general3A_11 = tpu.matmul %reduce_sum3A_7, %get3A_10, %dot_general3A {dimension_numbers = #tpu.dot_dimension_numbers<[1], [0], [0], [1], [0, 0, 1, 1], [], []>, transpose_lhs_hint = false} : vector<256x128xf32>, vector<128x128xf32>, vector<256x128xf32> -> vector<256x128xf32>
    %get3A_12 = arith.constant 0 : index
    %get3A_13 = arith.constant 0 : index
    %get3A_14 = vector.load %arg4[%get3A_12, %get3A_13] : memref<128x128xf32, #tpu.memory_space<vmem>>, vector<128x128xf32>
    %dot_general3A_15 = arith.constant dense<0.000000e+00> : vector<2560x128xf32>
    %dot_general3A_16 = tpu.matmul %reshape3A, %get3A_14, %dot_general3A_15 {dimension_numbers = #tpu.dot_dimension_numbers<[1], [0], [0], [1], [0, 0, 1, 1], [], []>, transpose_lhs_hint = false} : vector<2560x128xf32>, vector<128x128xf32>, vector<2560x128xf32> -> vector<2560x128xf32>
    %reshape3A_17 = vector.shape_cast %dot_general3A_16 : vector<2560x128xf32> to vector<256x10x128xf32>
    %broadcast_in_dim3A = vector.shape_cast %dot_general3A_11 : vector<256x128xf32> to vector<256x1x128xf32>
    %add3A = vector.broadcast %broadcast_in_dim3A : vector<256x1x128xf32> to vector<256x10x128xf32>
    %add3A_18 = arith.addf %reshape3A_17, %add3A : vector<256x10x128xf32>
    %get3A_19 = arith.constant 0 : index
    %get3A_20 = arith.constant 0 : index
    %get3A_21 = arith.constant 0 : index
    %get3A_22 = vector.load %arg5[%get3A_19, %get3A_20, %get3A_21] : memref<1x1x128xf32, #tpu.memory_space<vmem>>, vector<1x1x128xf32>
    %add3A_23 = vector.broadcast %get3A_22 : vector<1x1x128xf32> to vector<256x10x128xf32>
    %add3A_24 = arith.addf %add3A_18, %add3A_23 : vector<256x10x128xf32>
    %max3A = arith.constant 0.000000e+00 : f32
    %max3A_25 = vector.broadcast %max3A : f32 to vector<256x10x128xf32>
    %max3A_26 = arith.maximumf %add3A_24, %max3A_25 : vector<256x10x128xf32>
    %swap3A = arith.constant 0 : index
    %swap3A_27 = arith.constant 0 : index
    %swap3A_28 = arith.constant 0 : index
    %swap3A_29 = vector.load %arg6[%swap3A, %swap3A_27, %swap3A_28] : memref<256x10x128xf32, #tpu.memory_space<vmem>>, vector<256x10x128xf32>
    tpu.vector_store %arg6[%swap3A, %swap3A_27, %swap3A_28], %max3A_26 {strides = array<i32>} : memref<256x10x128xf32, #tpu.memory_space<vmem>>, vector<256x10x128xf32>,
    return
  }
  func.func @transform_0(%arg0: i32) -> (i32, i32, i32) {
    %c0_i32 = arith.constant 0 : i32
    %c0_i32_0 = arith.constant 0 : i32
    %c0_i32_1 = arith.constant 0 : i32
    return %arg0, %c0_i32, %c0_i32_0 : i32, i32, i32
  }
  func.func @transform_1(%arg0: i32) -> (i32, i32, i32) {
    %c0_i32 = arith.constant 0 : i32
    %c0_i32_0 = arith.constant 0 : i32
    %c0_i32_1 = arith.constant 0 : i32
    return %arg0, %c0_i32, %c0_i32_0 : i32, i32, i32
  }
  func.func @transform_2(%arg0: i32) -> (i32, i32) {
    %c0_i32 = arith.constant 0 : i32
    %c0_i32_0 = arith.constant 0 : i32
    %c0_i32_1 = arith.constant 0 : i32
    return %c0_i32, %c0_i32_0 : i32, i32
  }
  func.func @transform_3(%arg0: i32) -> (i32, i32) {
    %c0_i32 = arith.constant 0 : i32
    %c0_i32_0 = arith.constant 0 : i32
    %c0_i32_1 = arith.constant 0 : i32
    return %c0_i32, %c0_i32_0 : i32, i32
  }
  func.func @transform_4(%arg0: i32) -> (i32, i32, i32) {
    %c0_i32 = arith.constant 0 : i32
    %c0_i32_0 = arith.constant 0 : i32
    %c0_i32_1 = arith.constant 0 : i32
    %c0_i32_2 = arith.constant 0 : i32
    return %c0_i32, %c0_i32_0, %c0_i32_1 : i32, i32, i32
  }
  func.func @transform_5(%arg0: i32) -> (i32, i32, i32) {
    %c0_i32 = arith.constant 0 : i32
    %c0_i32_0 = arith.constant 0 : i32
    %c0_i32_1 = arith.constant 0 : i32
    return %arg0, %c0_i32, %c0_i32_0 : i32, i32, i32
  }
}

</mosaic_0001>

<sc_bundles>
// kernel: kernel.4.cloned.1.call-start
scs
__scs_entry_jumppad:
0x0: {  	(pc) =	sbr.rel $0x88, $3  }
0x1: {  	(tag) =	ssettag $0x0;
	lr =	simm.s32 $0x1  }
0x2: {  	[smem:$0x3F9C] =	sst lr;
	_ =	strace $0xD0000000  }
0x3: {  	_ = 	snop  }
0x4: {  	_ = 	snop  }
0x5: {  	_ = 	snop  }
0x6: {  	_ = 	snop  }
0x7: {  	_ = 	snop  }
__scs_overlays_trampoline_lowered:
0x8: {  	[smem:$0x3FAB] =	sst s0  }
0x9: {  	[smem:$0x3FAC] =	sst s1  }
0xa: {  	[smem:$0x3FAD] =	sst s2  }
0xb: {  	[smem:$0x3FAE] =	sst s3  }
0xc: {  	[smem:$0x3FAF] =	sst s4  }
0xd: {  	[smem:$0x3FB0] =	sst s5  }
0xe: {  	[smem:$0x3FB1] =	sst s6  }
0xf: {  	[smem:$0x3FB2] =	sst s7  }
0x10: {  	[smem:$0x3FB3] =	sst s8  }
0x11: {  	[smem:$0x3FB4] =	sst s9;
	s0 =	simm.s32 @!p0 $0x0  }
0x12: {  	s1 =	sld [smem:$0x3F9A];
	s0 =	simm.s32 @p0 $0x1  }
0x13: {  	[smem:$0x3FB5] =	sst s0;
	s0 =	simm.s32 @!p1 $0x0  }
0x14: {  	s2 =	sld [smem:$0x3F99];
	s0 =	simm.s32 @p1 $0x1  }
0x15: {  	[smem:$0x3FB6] =	sst s0;
	s0 =	simm.s32 @!p2 $0x0  }
0x16: {  	s3 =	sld [smem:$0x3FDB];
	s0 =	simm.s32 @p2 $0x1  }
0x17: {  	s4 =	simm.s32 $0x1BF5;
	[smem:$0x3FB8] =	sst s0  }
0x18: {  	s0 =	sld [smem:$0x3F9B];
	_ =	swait.ge [sflag:s4], $0x0  }
0x19: {  	s7 =	sld [smem:$0x3F9C]  }
0x1a: {  	s8 =	sadd.s32 $0xFFFFE003, lr  }
0x1b: {  	s9 =	sadd.s32 $0xFFFFFEF7, lr;
	s5 =	simm.s32 $0xFFFFFFFF;
	p2 =	slt.u32 s8, $0xFFFFF086  }
0x1c: {  	p1 =	slt.u32 s9, $0xF7A;
	s5 =	simm.s32 @!p2 $0x0  }
0x1d: {  	s5 =	simm.s32 @p1 $0x1;
	p0 =	seq.s32 s7, s2  }
0x1e: {  	s7 =	smul.u32 @!p0 $0xF7A, s2;
	p2 =	seq.s32 @!p0 s5, $0x0  }
0x1f: {  	s9 =	smul.u32 $0xF7A, s1;
	s8 =	simm.s32 @!p0 $0x1BF5;
	p2 =	por !p2, p0  }
0x20: {  	[sflag:s8] =	ssyncset.s32 @!p0 $0xFFFFF086;
	s6 =	sadd.s32 @!p0 s3, s7;
	s7 =	simm.s32 @!p0 $0x108  }
0x21: {  	s3 =	sadd.s32 s3, s9;
	s6 =	sadd.s32 @!p0 $0x88, s6;
	s7 =	simm.s32 @p2 $0x1082  }
0x22: {  	[simem:s7], [sflag:s8] =	dma.local @!p0 [hbm:s6], $0xF7A  }
0x23: {  	s9 =	sor.u32 $0xD0000000, s2;
	s6 =	simm.s32 $0x108;
	_ =	swait.ge @!p0 [sflag:s8], $0x0  }
0x24: {  	s3 =	sadd.s32 $0x88, s3;
	s6 =	simm.s32 @!p1 $0x1082;
	[sflag:s4] =	ssyncset.s32 $0xFFFFF086  }
0x25: {  	[simem:s6], [sflag:s4] =	dma.local [hbm:s3], $0xF7A  }
0x26: {  	[smem:$0x3F9C] =	sst s1;
	(tag) =	ssettag s2;
	_ =	strace s9  }
0x27: {  	s1 =	sld [smem:$0x3FAC]  }
0x28: {  	s2 =	sld [smem:$0x3FAD]  }
0x29: {  	s4 =	sld [smem:$0x3FAF]  }
0x2a: {  	p0 =	seq.s32 s5, $0x0;
	s5 =	sld [smem:$0x3FB0]  }
0x2b: {  	s6 =	sld [smem:$0x3FB1]  }
0x2c: {  	s7 =	sld [smem:$0x3FB2]  }
0x2d: {  	s3 =	simm.s32 $0x108;
	s8 =	sld [smem:$0x3FB3]  }
0x2e: {  	s3 =	simm.s32 @!p0 $0x1082;
	s9 =	sld [smem:$0x3FB4]  }
0x2f: {  	lr =	sadd.s32 s0, s3;
	s0 =	sld [smem:$0x3FAB]  }
0x30: {  	s3 =	sld [smem:$0x3FAE]  }
0x31: {  	[smem:$0x3FB7] =	sst s10  }
0x32: {  	s10 =	sld [smem:$0x3FB5];
	_ =	sdelay $0x3  }
0x33: {  	p0 =	seq.s32 s10, $0x1;
	s10 =	sld [smem:$0x3FB7];
	_ =	sdelay $0x3  }
0x34: {  	[smem:$0x3FB7] =	sst s10  }
0x35: {  	s10 =	sld [smem:$0x3FB6];
	_ =	sdelay $0x3  }
0x36: {  	p1 =	seq.s32 s10, $0x1;
	s10 =	sld [smem:$0x3FB7];
	_ =	sdelay $0x3  }
0x37: {  	[smem:$0x3FB7] =	sst s10  }
0x38: {  	s10 =	sld [smem:$0x3FB8]  }
0x39: {  	_ = 	snop;
	(pc) =	sbr.ind lr, $3  }
0x3a: {  	_ = 	snop  }
0x3b: {  	_ = 	snop  }
0x3c: {  	p2 =	seq.s32 s10, $0x1;
	s10 =	sld [smem:$0x3FB7]  }
0x3d: {  	_ =	shalt  }
0x3e: {  	_ =	shalt  }
0x3f: {  	_ =	shalt  }
0x40: {  	_ =	shalt  }
0x41: {  	_ =	shalt  }
0x42: {  	_ =	shalt  }
0x43: {  	_ =	shalt  }
0x44: {  	_ =	shalt  }
0x45: {  	_ =	shalt  }
0x46: {  	_ =	shalt  }
0x47: {  	_ =	shalt  }
0x48: {  	_ =	shalt  }
0x49: {  	_ =	shalt  }
0x4a: {  	_ =	shalt  }
0x4b: {  	_ =	shalt  }
0x4c: {  	_ =	shalt  }
0x4d: {  	_ =	shalt  }
0x4e: {  	_ =	shalt  }
0x4f: {  	_ =	shalt  }
0x50: {  	_ =	shalt  }
0x51: {  	_ =	shalt  }
0x52: {  	_ =	shalt  }
0x53: {  	_ =	shalt  }
0x54: {  	_ =	shalt  }
0x55: {  	_ =	shalt  }
0x56: {  	_ =	shalt  }
0x57: {  	_ =	shalt  }
0x58: {  	_ =	shalt  }
0x59: {  	_ =	shalt  }
0x5a: {  	_ =	shalt  }
0x5b: {  	_ =	shalt  }
0x5c: {  	_ =	shalt  }
0x5d: {  	_ =	shalt  }
0x5e: {  	_ =	shalt  }
0x5f: {  	_ =	shalt  }
0x60: {  	_ =	shalt  }
0x61: {  	_ =	shalt  }
0x62: {  	_ =	shalt  }
0x63: {  	_ =	shalt  }
0x64: {  	_ =	shalt  }
0x65: {  	_ =	shalt  }
0x66: {  	_ =	shalt  }
0x67: {  	_ =	shalt  }
0x68: {  	_ =	shalt  }
0x69: {  	_ =	shalt  }
0x6a: {  	_ =	shalt  }
0x6b: {  	_ =	shalt  }
0x6c: {  	_ =	shalt  }
0x6d: {  	_ =	shalt  }
0x6e: {  	_ =	shalt  }
0x6f: {  	_ =	shalt  }
0x70: {  	_ =	shalt  }
0x71: {  	_ =	shalt  }
0x72: {  	_ =	shalt  }
0x73: {  	_ =	shalt  }
0x74: {  	_ =	shalt  }
0x75: {  	_ =	shalt  }
0x76: {  	_ =	shalt  }
0x77: {  	_ =	shalt  }
0x78: {  	_ =	shalt  }
0x79: {  	_ =	shalt  }
0x7a: {  	_ =	shalt  }
0x7b: {  	_ =	shalt  }
0x7c: {  	_ =	shalt  }
0x7d: {  	_ =	shalt  }
0x7e: {  	_ =	shalt  }
0x7f: {  	_ =	shalt  }
0x80: {  	_ =	shalt  }
0x81: {  	_ =	shalt  }
0x82: {  	_ =	shalt  }
0x83: {  	_ =	shalt  }
0x84: {  	_ =	shalt  }
0x85: {  	_ =	shalt  }
0x86: {  	_ =	shalt  }
0x87: {  	_ =	shalt  }
.Lfunc_end0:
.L_simem_size_0:
called_computation_lowered:
.L_overlay_start_0:
0x88: {  	s2 =	sld [smem:$0x3FD9]  }
0x89: {  	s3 =	sld [smem:$0x3FFE];
	_ =	sdelay $0x1  }
0x8a: {  	s1 =	srdreg.scid  }
0x8b: {  	s0 =	sand.u32 $0x1, s1  }
0x8c: {  	s17 =	sshll.u32 s0, $0xA;
	s2 =	sadd.s32 s3, s2  }
0x8d: {  	s2 =	sadd.s32 s2, s17  }
0x8e: {  	[smem:$0x3FC3] =	sst s2  }
0x8f: {  	_ = 	snop  }
0x90: {  	s2 =	sld [smem:$0x3FC9]  }
0x91: {  	s18 =	sld [smem:$0x3FD0];
	(tm) =	ssettm $0x1  }
0x92: {  	s4 =	sld [smem:$0x3FFB];
	_ =	sdelay $0x3  }
0x93: {  	_ =	strace s4  }
0x94: {  	s4 =	sld [smem:$0x3FFC];
	_ =	sdelay $0x3  }
0x95: {  	_ =	strace s4  }
0x96: {  	s4 =	sld [smem:$0x3FFD];
	_ =	sdelay $0x3  }
0x97: {  	_ =	strace s4  }
0x98: {  	_ =	strace $0x8FFFFFFF  }
0x99: {  	s19 =	sld [smem:$0x3FDB];
	_ =	sdelay $0x1  }
0x9a: {  	s5 =	simm.s32 $_scs_section_size  }
0x9b: {  	s6 =	simm.s32 $_size__tile_overlayer_lowered;
	s7 =	simm.s32 $_tile_overlayer_lowered  }
0x9c: {  	s22 =	simm.s32 $0x1BFF;
	s21 =	sshll.u32 s7, $0x1;
	s4 =	sadd.s32 s5, s19  }
0x9d: {  	s8 =	simm.s32 $0x0;
	s20 =	sshll.u32 s6, $0x1;
	s6 =	sadd.s32 s21, s4  }
0x9e: {  	[timem:s8], [sflag:s22] =	dma.local [hbm:s6], s20  }
0x9f: {  	_ =	swait.ge [sflag:s22], s20  }
0xa0: {  	s5 =	ssub.s32 $0x0, s20;
	[sflag:s22] =	ssyncset.done $0x0  }
0xa1: {  	[sflag:s22] =	ssyncadd.s32 s5;
	_ =	sdelay $0x1  }
0xa2: {  	s23 =	simm.s32 $0x1B8B  }
0xa3: {  	_ =	swait.ge [sflag:s23], $0x1  }
0xa4: {  	[sflag:s23] =	ssyncset.done $0x0  }
0xa5: {  	s25 =	simm.s32 $0x1B8E;
	s24 =	sld [smem:$0x3FFE];
	[sflag:s23] =	ssyncadd.s32 $0xFFFFFFFF  }
0xa6: {  	s26 =	simm.s32 $execute0_lowered;
	[smem:$0x3FD2] =	sst s25  }
0xa7: {  	s6 =	sshll.u32 s26, $0x1;
	_ =	strace $0x80000046;
	[dreg:$0x1] =	wrdreg $0xFFFFFFFF  }
0xa8: {  	s28 =	simm.s32 $_size_execute0_lowered;
	s4 =	sadd.s32 s4, s6;
	[dreg:$0x0] =	wrdreg $0x0  }
0xa9: {  	s6 =	sshll.u32 s28, $0x1;
	[dreg:$0x2] =	wrdreg s4  }
0xaa: {  	[dreg:$0x3] =	wrdreg s6  }
0xab: {  	[dreg:$0x4] =	wrdreg $0xC0  }
0xac: {  	_ =	task [dreg:s8], $0x5FFFF  }
0xad: {  	[dreg:$0x1] =	wrdreg $0xFFFFFFFF  }
0xae: {  	[dreg:$0x0] =	wrdreg $0x60  }
0xaf: {  	[dreg:$0x2] =	wrdreg s2  }
0xb0: {  	[dreg:$0x3] =	wrdreg s24  }
0xb1: {  	[dreg:$0x4] =	wrdreg s18  }
0xb2: {  	[dreg:$0x5] =	wrdreg $0x9  }
0xb3: {  	_ =	task.clear_ibuf [dreg:s8], $0x6FFFF;
	_ =	strace $0x90000046  }
0xb4: {  	s29 =	simm.s32 $0x9;
	_ =	strace $0x80000048  }
0xb5: {  	_ =	swait.ge [sflag:s29], $0x1  }
0xb6: {  	[sflag:s29] =	ssyncadd.s32 $0xFFFFFFFF  }
0xb7: {  	_ =	strace $0x90000048  }
0xb8: {  	_ =	sfence  }
0xb9: {  	s30 =	sld [smem:$0x0];
	_ =	sdelay $0x2  }
0xba: {  	s31 =	sshll.u32 s1, $0xD;
	s1 =	sshrl.u32 s1, $0x2  }
0xbb: {  	s3 =	sand.u32 $0x4000, s31;
	s1 =	sadd.s32 s1, s30  }
0xbc: {  	s0 =	sor.u32 s3, s0;
	s1 =	sshll.u32 s1, $0x11  }
0xbd: {  	s0 =	sor.u32 s1, s0  }
0xbe: {  	s0 =	sadd.s32 $0x8F2B, s0  }
0xbf: {  	[sflag:s0] =	ssyncadd.remote.s32 $0x1  }
0xc0: {  	_ =	sfence.sel $0xFFFF  }
0xc1: {  	[dreg:$0x0] =	wrdreg $0xFFFFFFFF;
	(pc) =	sbr.abs _section_cstart, $3  }
0xc2: {  	[dreg:$0x1] =	wrdreg $0xFFFFFFFF  }
0xc3: {  	_ =	task.clear_ibuf [dreg:s8], $0x2FFFF;
	_ =	strace $0x9FFFFFFF  }
0xc4: {  	(tm) =	ssettm $0x7FFFFFFF  }
0xc5: {  	_ =	shalt  }
tec
execute0_lowered:
.L_overlay_start_1:
0x0: {  	(tag) =	ssettag $0x1  }
0x1: {  	s1 =	srdreg.scid  }
0x2: {  	s0 =	stileid.u32;
	s2 =	rddreg [dreg:$0x0]  }
0x3: {  	s4 =	rddreg [dreg:$0x1];
	s8 =	sand.u32 $0x1, s1;
	s23 =	sshll.u32 s0, $0x1  }
0x4: {  	s5 =	rddreg [dreg:$0x2];
	s6 =	sor.u32 s8, s23  }
0x5: {  	s3 =	simm.s32 $0x0;
	s1 =	rddreg [dreg:$0x3];
	s11 =	smul.u32 $0xA0, s6  }
0x6: {  	s16 =	simm.s32 $0x100;
	[smem:$0x7FF] =	sst s3  }
0x7: {  	_ =	strace $0x80000047;
	s7 =	sor.u32 $0x10, s11;
	s24 =	sshrl.u32 s11, $0x3  }
0x8: {  	v1 =	vlaneseq.u32;
	s9 =	sadd.s32 $0x20, s11;
	s25 =	sadd.s32 $0x30, s11;
	s10 =	sadd.s32 s24, s4  }
0x9: {  	v2 =	vmul.u32 $0xCCCD, v1;
	s26 =	sadd.s32 $0x40, s11;
	v1 =	vmov s7;
	s7 =	simm.s32 $0x3;
	s4 =	sadd.s32 $0x1200, s10  }
0xa: {  	v0 =	vmov s11;
	[tilespmem:s3], [sflag:$0x3] =	stream.linear.gather [hbm4b:s4+s3], $0xA0, $0x38;
	[tilespmem:$0x5300] =	vst v63  }
0xb: {  	s28 =	sadd.s32 $0x50, s11;
	s12 =	sadd.s32 $0x60, s11;
	v0 =	vmul.u32 $0xCCCD, v0;
	_ =	swait.ge [sflag:s7], $0xA0  }
0xc: {  	s29 =	sadd.s32 $0x70, s11;
	s30 =	sadd.s32 $0x80, s11;
	v3 =	vmov s9;
	v4 =	vmov s25;
	v1 =	vmul.u32 $0xCCCD, v1;
	[sflag:s7] =	ssyncset.done $0x0  }
0xd: {  	s11 =	sadd.s32 $0x90, s11;
	v5 =	vmov s26;
	v8 =	vmov s12;
	v9 =	vmov s30;
	s10 =	sadd.s32 $0x1480, s10;
	[sflag:s7] =	ssyncadd.s32 $0xFFFFFF60  }
0xe: {  	v3 =	vmul.u32 $0xCCCD, v3;
	v0 =	vbroadcast v0, $0x0;
	v1 =	vbroadcast v1, $0x0;
	[tilespmem:s16], [sflag:$0x3] =	stream.linear.gather [hbm4b:s10+s3], $0xA0, $0x38;
	[tilespmem:$0x5300] =	vst v63  }
0xf: {  	v11 =	vmov s11;
	v4 =	vmul.u32 $0xCCCD, v4;
	v5 =	vmul.u32 $0xCCCD, v5;
	_ =	swait.ge [sflag:s7], $0xA0  }
0x10: {  	v3 =	vbroadcast v3, $0x0;
	v0 =	vadd.s32 v2, v0;
	v1 =	vadd.s32 v2, v1;
	[sflag:s7] =	ssyncset.done $0x0  }
0x11: {  	v6 =	vbroadcast v4, $0x0;
	v0 =	vshrl.u32 v0, $0x13;
	v1 =	vshrl.u32 v1, $0x13;
	[sflag:s7] =	ssyncadd.s32 $0xFFFFFF60  }
0x12: {  	v5 =	vbroadcast v5, $0x0;
	v4 =	vmul.u32 $0x1C, v0;
	v0 =	vmul.u32 $0x1C, v1;
	v10 =	vld [tilespmem:$0x160]  }
0x13: {  	v1 =	vadd.s32 v2, v3;
	v3 =	vadd.s32 v2, v6;
	v6 =	vmov s28;
	v12 =	vld [tilespmem:$0x60]  }
0x14: {  	v1 =	vshrl.u32 v1, $0x13;
	v3 =	vshrl.u32 v3, $0x13;
	v7 =	vmul.u32 $0xCCCD, v6;
	v15 =	vld [tilespmem:$0x0]  }
0x15: {  	v6 =	vmul.u32 $0x1C, v1;
	v1 =	vmul.u32 $0x1C, v3;
	v3 =	vadd.s32 v2, v5;
	v17 =	vld [tilespmem:$0x120]  }
0x16: {  	v11 =	vmul.u32 $0xCCCD, v11;
	v3 =	vshrl.u32 v3, $0x13;
	v5 =	vbroadcast v7, $0x0;
	v19 =	vld [tilespmem:$0x20]  }
0x17: {  	v18 =	vld [tilespmem:$0x100];
	v7 =	vmul.u32 $0x1C, v3;
	v3 =	vmul.u32 $0xCCCD, v8;
	v8 =	vmov s29  }
0x18: {  	v9 =	vmul.u32 $0xCCCD, v9;
	v5 =	vadd.s32 v2, v5;
	v8 =	vmul.u32 $0xCCCD, v8  }
0x19: {  	v11 =	vbroadcast v11, $0x0;
	v23 =	vld [tilespmem:$0x40];
	v3 =	vbroadcast v3, $0x0;
	v5 =	vshrl.u32 v5, $0x13  }
0x1a: {  	v25 =	vld [tilespmem:$0x140];
	v13 =	vbroadcast v8, $0x0;
	v8 =	vmul.u32 $0x1C, v5;
	v5 =	vbroadcast v9, $0x0  }
0x1b: {  	v3 =	vadd.s32 v2, v3;
	vm0 =	vgt.s32 v12, v10;
	vm1 =	vgt.s32 v19, v17  }
0x1c: {  	vm2 =	vgt.s32 v15, v18;
	v3 =	vshrl.u32 v3, $0x13;
	v13 =	vadd.s32 v2, v13  }
0x1d: {  	v5 =	vadd.s32 v2, v5;
	v2 =	vadd.s32 v2, v11;
	v11 =	vsel vm0, v12, v10  }
0x1e: {  	s8 =	ssub.s32 $0x2, s8;
	v21 =	vsel vm1, v17, v19;
	v14 =	vsel vm0, v10, v12;
	v20 =	vsel vm2, v18, v15  }
0x1f: {  	s31 =	sshrl.u32 s8, $0x1;
	v15 =	vsel vm2, v15, v18;
	v17 =	vsel vm1, v19, v17;
	vm1 =	vgt.s32 v23, v25  }
0x20: {  	s8 =	ssub.s32 s8, s31;
	v16 =	vld [tilespmem:$0x150];
	v9 =	vmul.u32 $0x1C, v3;
	v3 =	vshrl.u32 v13, $0x13;
	v5 =	vshrl.u32 v5, $0x13  }
0x21: {  	s17 =	smax.u32 s8, $0x1;
	v2 =	vshrl.u32 v2, $0x13;
	v13 =	vld [tilespmem:$0x50];
	v10 =	vsub.s32 $0xF, v21;
	v12 =	vxor.u32 $0xFFFFFFFF, v14  }
0x22: {  	s6 =	smul.u32 $0xA00, s6;
	p0 =	sne.s32 s17, $0x1;
	v22 =	vsub.s32 $0xF, v20;
	v18 =	vsub.s32 $0xF, v14;
	v24 =	vsel vm1, v25, v23  }
.Ltmp0:
0x23: {  	v23 =	vsel vm1, v23, v25;
	v3 =	vmul.u32 $0x1C, v3;
	v5 =	vmul.u32 $0x1C, v5;
	(pc) =	sbr.rel @!p0 .LBB2_2-.Ltmp0, $4  }
0x24: {  	s13 =	simm.s32 $0x200;
	s14 =	simm.s32 $0x280;
	v2 =	vmul.u32 $0x1C, v2;
	v10 =	vmul.u32 v21, v10;
	v21 =	vxor.u32 $0xFFFFFFFF, v21  }
0x25: {  	s15 =	simm.s32 $0x1;
	s6 =	sadd.s32 s5, s6;
	s8 =	simm.s32 $0x300;
	v22 =	vmul.u32 v20, v22;
	v25 =	vsub.s32 $0xF, v24;
	v19 =	vadd.s32 v21, v6  }
0x26: {  	s9 =	sshll.u32 s28, $0x4;
	s11 =	simm.s32 $0x50;
	s12 =	simm.s32 $0x2;
	v19 =	vadd.s32 v17, v19;
	v10 =	vshrl.u32 v10, $0x1;
	v17 =	vld [tilespmem:$0x170];
	vm0 =	vgt.s32 v13, v16  }
0x27: {  	s17 =	sadd.s32 $0xFFFFFFFF, s17;
	s5 =	sadd.s32 s5, s9;
	s9 =	simm.s32 $0x2B00;
	v26 =	vxor.u32 $0xFFFFFFFF, v24;
	v10 =	vadd.s32 v10, v19;
	v19 =	vld [tilespmem:$0x70];
	v21 =	vsel vm0, v13, v16  }
.LBB2_1:
0x28: {  	p0 =	sne.s32 s17, $0x1;
	s17 =	sadd.s32 $0xFFFFFFFF, s17;
	v22 =	vshrl.u32 v22, $0x1;
	v24 =	vmul.u32 v24, v25;
	v25 =	vadd.s32 v26, v7;
	v26 =	vld [tilespmem:$0x180]  }
0x29: {  	v20 =	vxor.u32 $0xFFFFFFFF, v20;
	v13 =	vsel vm0, v16, v13;
	v23 =	vadd.s32 v23, v25;
	v16 =	vld [tilespmem:$0x80]  }
0x2a: {  	v20 =	vadd.s32 v20, v4;
	v25 =	vsub.s32 $0xF, v13;
	v24 =	vshrl.u32 v24, $0x1  }
0x2b: {  	v14 =	vmul.u32 v14, v18;
	v23 =	vadd.s32 v24, v23;
	v24 =	vxor.u32 $0xFFFFFFFF, v13  }
0x2c: {  	v13 =	vmul.u32 v13, v25;
	v18 =	vld [tilespmem:$0x110];
	v24 =	vadd.s32 v24, v8;
	vm0 =	vgt.s32 v19, v17  }
0x2d: {  	v12 =	vadd.s32 v12, v9;
	v15 =	vadd.s32 v15, v20;
	v20 =	vld [tilespmem:$0x10];
	v21 =	vadd.s32 v21, v24  }
0x2e: {  	v14 =	vshrl.u32 v14, $0x1;
	v13 =	vshrl.u32 v13, $0x1;
	[tilespmem:$0x240] =	vst v23;
	vm1 =	vgt.s32 v16, v26  }
0x2f: {  	v13 =	vadd.s32 v13, v21;
	v23 =	vld [tilespmem:$0x30];
	v21 =	vsel vm1, v26, v16;
	v16 =	vsel vm1, v16, v26  }
0x30: {  	v11 =	vadd.s32 v11, v12;
	v15 =	vadd.s32 v22, v15;
	v12 =	vsel vm0, v17, v19;
	v22 =	vld [tilespmem:$0x130]  }
0x31: {  	[tilespmem:$0x200] =	vst v15;
	v15 =	vsel vm0, v19, v17;
	v17 =	vsub.s32 $0xF, v12;
	v19 =	vsub.s32 $0xF, v21  }
0x32: {  	v11 =	vadd.s32 v14, v11;
	vm0 =	vgt.s32 v20, v18;
	[tilespmem:$0x280] =	vst v13;
	v13 =	vmul.u32 v12, v17;
	v14 =	vld [tilespmem:$0x190]  }
0x33: {  	v17 =	vsel vm0, v20, v18;
	[tilespmem:$0x290] =	vst v11;
	v11 =	vmul.u32 v21, v19;
	v19 =	vxor.u32 $0xFFFFFFFF, v21;
	v21 =	vld [tilespmem:$0x90]  }
0x34: {  	v18 =	vsel vm0, v18, v20;
	v13 =	vshrl.u32 v13, $0x1;
	v19 =	vadd.s32 v19, v5  }
0x35: {  	v20 =	vxor.u32 $0xFFFFFFFF, v18;
	vm0 =	vgt.s32 v23, v22;
	v11 =	vshrl.u32 v11, $0x1  }
0x36: {  	v20 =	vadd.s32 v20, v0;
	v24 =	vsel vm0, v22, v23;
	v22 =	vsel vm0, v23, v22  }
0x37: {  	v12 =	vxor.u32 $0xFFFFFFFF, v12;
	v23 =	vsub.s32 $0xF, v24;
	v25 =	vxor.u32 $0xFFFFFFFF, v24  }
0x38: {  	v16 =	vadd.s32 v16, v19;
	v23 =	vmul.u32 v24, v23;
	vm0 =	vgt.s32 v21, v14  }
0x39: {  	v19 =	vsub.s32 $0xF, v18;
	v11 =	vadd.s32 v11, v16;
	v24 =	vadd.s32 v25, v1  }
0x3a: {  	v16 =	vadd.s32 v17, v20;
	v20 =	vadd.s32 v22, v24;
	v17 =	vshrl.u32 v23, $0x1;
	[tilespmem:$0x2B0] =	vst v11  }
0x3b: {  	v12 =	vadd.s32 v12, v3;
	v11 =	vadd.s32 v17, v20;
	v17 =	vsel vm0, v14, v21  }
0x3c: {  	v18 =	vmul.u32 v18, v19;
	[tilespmem:$0x230] =	vst v11;
	v11 =	vsub.s32 $0xF, v17;
	v19 =	vxor.u32 $0xFFFFFFFF, v17  }
0x3d: {  	v12 =	vadd.s32 v15, v12;
	v11 =	vmul.u32 v17, v11;
	v15 =	vadd.s32 v19, v2  }
0x3e: {  	v17 =	vshrl.u32 v18, $0x1;
	[tilespmem:$0x220] =	vst v10;
	v10 =	vadd.s32 v13, v12;
	v12 =	vsel vm0, v21, v14  }
0x3f: {  	v13 =	vadd.s32 v17, v16;
	[tilespmem:$0x2A0] =	vst v10;
	v10 =	vshrl.u32 v11, $0x1;
	v11 =	vadd.s32 v12, v15  }
0x40: {  	[tilespmem:$0x210] =	vst v13;
	v10 =	vadd.s32 v10, v11  }
0x41: {  	[tilespmem:$0x2C0] =	vst v10  }
0x42: {  	[tilespmem:s8], [sflag:$0x1] =	stream.indirect.gather [hbm4b:s2+s11], $0x80, s13, s11, $0xb8;
	[tilespmem:$0x5300] =	vst v63  }
0x43: {  	_ = 	snop  }
0x44: {  	[tilespmem:s9], [sflag:$0x1] =	stream.indirect.gather [hbm4b:s2+s11], $0x80, s14, s11, $0xb8;
	[tilespmem:$0x5300] =	vst v63  }
0x45: {  	_ =	swait.ge [sflag:s15], $0x2800  }
0x46: {  	[sflag:s15] =	ssyncset.done $0x0  }
0x47: {  	[sflag:s15] =	ssyncadd.s32 $0xFFFFD800  }
0x48: {  	[hbm4b:s6+s3] =	stream.linear.scatter [tilespmem:s8], [sflag:$0x2], $0x2800, $0x38;
	[tilespmem:$0x5300] =	vst v63  }
0x49: {  	_ =	swait.ge [sflag:s15], $0x2800  }
0x4a: {  	[sflag:s15] =	ssyncset.done $0x0  }
0x4b: {  	[sflag:s15] =	ssyncadd.s32 $0xFFFFD800  }
0x4c: {  	[hbm4b:s5+s3] =	stream.linear.scatter [tilespmem:s9], [sflag:$0x2], $0x2800, $0x38;
	[tilespmem:$0x5300] =	vst v63  }
0x4d: {  	_ =	swait.ge [sflag:s12], $0x2800  }
0x4e: {  	[sflag:s12] =	ssyncset.done $0x0  }
0x4f: {  	[sflag:s12] =	ssyncadd.s32 $0xFFFFD800  }
0x50: {  	_ =	swait.ge [sflag:s12], $0x2800  }
0x51: {  	[sflag:s12] =	ssyncset.done $0x0  }
0x52: {  	[sflag:s12] =	ssyncadd.s32 $0xFFFFD800  }
0x53: {  	[tilespmem:s3], [sflag:$0x3] =	stream.linear.gather [hbm4b:s4+s3], $0xA0, $0x38;
	[tilespmem:$0x5300] =	vst v63  }
0x54: {  	_ =	swait.ge [sflag:s7], $0xA0  }
0x55: {  	[sflag:s7] =	ssyncset.done $0x0  }
0x56: {  	[sflag:s7] =	ssyncadd.s32 $0xFFFFFF60  }
0x57: {  	[tilespmem:s16], [sflag:$0x3] =	stream.linear.gather [hbm4b:s10+s3], $0xA0, $0x38;
	[tilespmem:$0x5300] =	vst v63  }
0x58: {  	_ =	swait.ge [sflag:s7], $0xA0  }
0x59: {  	[sflag:s7] =	ssyncset.done $0x0  }
0x5a: {  	[sflag:s7] =	ssyncadd.s32 $0xFFFFFF60  }
0x5b: {  	v10 =	vld [tilespmem:$0x160]  }
0x5c: {  	v12 =	vld [tilespmem:$0x60]  }
0x5d: {  	v15 =	vld [tilespmem:$0x0]  }
0x5e: {  	v17 =	vld [tilespmem:$0x120]  }
0x5f: {  	v19 =	vld [tilespmem:$0x20]  }
0x60: {  	v18 =	vld [tilespmem:$0x100]  }
0x61: {  	v23 =	vld [tilespmem:$0x40]  }
0x62: {  	vm0 =	vgt.s32 v12, v10  }
0x63: {  	v11 =	vsel vm0, v12, v10;
	v13 =	vld [tilespmem:$0x50]  }
0x64: {  	vm1 =	vgt.s32 v19, v17;
	v16 =	vld [tilespmem:$0x150]  }
0x65: {  	v14 =	vsel vm0, v10, v12;
	vm2 =	vgt.s32 v15, v18;
	v21 =	vsel vm1, v17, v19;
	v25 =	vld [tilespmem:$0x140]  }
0x66: {  	v12 =	vxor.u32 $0xFFFFFFFF, v14;
	v20 =	vsel vm2, v18, v15;
	v10 =	vsub.s32 $0xF, v21  }
0x67: {  	v15 =	vsel vm2, v15, v18;
	v18 =	vsub.s32 $0xF, v14;
	v22 =	vsub.s32 $0xF, v20  }
.Ltmp1:
0x68: {  	v10 =	vmul.u32 v21, v10;
	v21 =	vxor.u32 $0xFFFFFFFF, v21;
	v22 =	vmul.u32 v20, v22;
	(pc) =	sbr.rel @p0 .LBB2_1-.Ltmp1, $4  }
0x69: {  	v17 =	vsel vm1, v19, v17;
	v19 =	vadd.s32 v21, v6;
	vm0 =	vgt.s32 v13, v16  }
0x6a: {  	v19 =	vadd.s32 v17, v19;
	vm1 =	vgt.s32 v23, v25;
	v21 =	vsel vm0, v13, v16  }
0x6b: {  	v10 =	vshrl.u32 v10, $0x1;
	v24 =	vsel vm1, v25, v23;
	v23 =	vsel vm1, v23, v25;
	v17 =	vld [tilespmem:$0x170]  }
0x6c: {  	v10 =	vadd.s32 v10, v19;
	v25 =	vsub.s32 $0xF, v24;
	v26 =	vxor.u32 $0xFFFFFFFF, v24;
	v19 =	vld [tilespmem:$0x70]  }
.LBB2_2:
0x6d: {  	v29 =	vld [tilespmem:$0x180]  }
0x6e: {  	v30 =	vld [tilespmem:$0x80]  }
0x6f: {  	v34 =	vld [tilespmem:$0x110]  }
0x70: {  	v6 =	vshrl.u32 v22, $0x1;
	v28 =	vmul.u32 v24, v25;
	v7 =	vadd.s32 v26, v7;
	v35 =	vld [tilespmem:$0x10]  }
0x71: {  	v20 =	vxor.u32 $0xFFFFFFFF, v20;
	v13 =	vsel vm0, v16, v13;
	v14 =	vmul.u32 v14, v18;
	v38 =	vld [tilespmem:$0x30]  }
0x72: {  	v9 =	vadd.s32 v12, v9;
	v40 =	vld [tilespmem:$0x130];
	v7 =	vadd.s32 v23, v7;
	v4 =	vadd.s32 v20, v4  }
0x73: {  	v46 =	vld [tilespmem:$0x190];
	v32 =	vsub.s32 $0xF, v13;
	v33 =	vxor.u32 $0xFFFFFFFF, v13;
	v9 =	vadd.s32 v11, v9  }
0x74: {  	v48 =	vld [tilespmem:$0x90];
	v31 =	vshrl.u32 v28, $0x1;
	v13 =	vmul.u32 v13, v32;
	v8 =	vadd.s32 v33, v8  }
0x75: {  	v4 =	vadd.s32 v15, v4;
	v37 =	vshrl.u32 v14, $0x1;
	v7 =	vadd.s32 v31, v7  }
0x76: {  	v8 =	vadd.s32 v21, v8;
	v4 =	vadd.s32 v6, v4;
	v9 =	vadd.s32 v37, v9  }
0x77: {  	vm12 =	vgt.s32 v19, v17;
	v36 =	vshrl.u32 v13, $0x1;
	vm1 =	vgt.s32 v30, v29  }
0x78: {  	v8 =	vadd.s32 v36, v8;
	v41 =	vsel vm12, v17, v19;
	v42 =	vsel vm12, v19, v17  }
0x79: {  	vm13 =	vgt.s32 v35, v34;
	vm14 =	vgt.s32 v38, v40;
	vm15 =	vgt.s32 v48, v46  }
0x7a: {  	v39 =	vsel vm1, v29, v30;
	v16 =	vsel vm1, v30, v29;
	v43 =	vsub.s32 $0xF, v41  }
0x7b: {  	v47 =	vsel vm13, v35, v34;
	v15 =	vsel vm13, v34, v35;
	v51 =	vsel vm14, v40, v38  }
0x7c: {  	v6 =	vsel vm14, v38, v40;
	v11 =	vxor.u32 $0xFFFFFFFF, v41;
	v56 =	vsel vm15, v46, v48  }
0x7d: {  	v61 =	vsel vm15, v48, v46;
	v44 =	vsub.s32 $0xF, v39;
	v45 =	vmul.u32 v41, v43  }
0x7e: {  	v12 =	vxor.u32 $0xFFFFFFFF, v39;
	v49 =	vxor.u32 $0xFFFFFFFF, v15;
	v52 =	vsub.s32 $0xF, v51  }
0x7f: {  	v53 =	vxor.u32 $0xFFFFFFFF, v51;
	v55 =	vsub.s32 $0xF, v15;
	v3 =	vadd.s32 v11, v3  }
0x80: {  	[tilespmem:$0x220] =	vst v10;
	v57 =	vsub.s32 $0xF, v56;
	v58 =	vxor.u32 $0xFFFFFFFF, v56;
	v20 =	vmul.u32 v39, v44  }
0x81: {  	[tilespmem:$0x240] =	vst v7;
	v5 =	vadd.s32 v12, v5;
	v0 =	vadd.s32 v49, v0;
	v54 =	vmul.u32 v51, v52  }
0x82: {  	[tilespmem:$0x200] =	vst v4;
	v1 =	vadd.s32 v53, v1;
	v4 =	vmul.u32 v15, v55;
	v60 =	vmul.u32 v56, v57  }
0x83: {  	[tilespmem:$0x290] =	vst v9;
	v2 =	vadd.s32 v58, v2;
	v5 =	vadd.s32 v16, v5;
	v50 =	vshrl.u32 v20, $0x1  }
0x84: {  	[tilespmem:$0x280] =	vst v8;
	v1 =	vadd.s32 v6, v1;
	v7 =	vshrl.u32 v54, $0x1;
	v5 =	vadd.s32 v50, v5  }
0x85: {  	v0 =	vadd.s32 v47, v0;
	v4 =	vshrl.u32 v4, $0x1;
	v1 =	vadd.s32 v7, v1;
	[tilespmem:$0x2B0] =	vst v5  }
0x86: {  	v2 =	vadd.s32 v61, v2;
	v62 =	vshrl.u32 v60, $0x1;
	v0 =	vadd.s32 v4, v0;
	[tilespmem:$0x230] =	vst v1  }
0x87: {  	v59 =	vadd.s32 v42, v3;
	v13 =	vshrl.u32 v45, $0x1;
	v63 =	vadd.s32 v62, v2;
	[tilespmem:$0x210] =	vst v0  }
0x88: {  	v1 =	vadd.s32 v13, v59;
	[tilespmem:$0x2C0] =	vst v63  }
0x89: {  	[tilespmem:$0x2A0] =	vst v1  }
0x8a: {  	[tilespmem:s8], [sflag:$0x1] =	stream.indirect.gather [hbm4b:s2+s11], $0x80, s13, s11, $0xb8;
	[tilespmem:$0x5300] =	vst v63  }
0x8b: {  	_ = 	snop  }
0x8c: {  	[tilespmem:s9], [sflag:$0x1] =	stream.indirect.gather [hbm4b:s2+s11], $0x80, s14, s11, $0xb8;
	[tilespmem:$0x5300] =	vst v63  }
0x8d: {  	_ =	swait.ge [sflag:s15], $0x2800  }
0x8e: {  	[sflag:s15] =	ssyncset.done $0x0  }
0x8f: {  	[sflag:s15] =	ssyncadd.s32 $0xFFFFD800  }
0x90: {  	[hbm4b:s6+s3] =	stream.linear.scatter [tilespmem:s8], [sflag:$0x2], $0x2800, $0x38;
	[tilespmem:$0x5300] =	vst v63  }
0x91: {  	_ =	swait.ge [sflag:s15], $0x2800  }
0x92: {  	[sflag:s15] =	ssyncset.done $0x0  }
0x93: {  	[sflag:s15] =	ssyncadd.s32 $0xFFFFD800  }
0x94: {  	[hbm4b:s5+s3] =	stream.linear.scatter [tilespmem:s9], [sflag:$0x2], $0x2800, $0x38;
	[tilespmem:$0x5300] =	vst v63  }
0x95: {  	_ =	swait.ge [sflag:s12], $0x2800  }
0x96: {  	[sflag:s12] =	ssyncset.done $0x0  }
0x97: {  	[sflag:s12] =	ssyncadd.s32 $0xFFFFD800  }
0x98: {  	_ =	swait.ge [sflag:s12], $0x2800  }
0x99: {  	[sflag:s12] =	ssyncset.done $0x0  }
0x9a: {  	[sflag:s12] =	ssyncadd.s32 $0xFFFFD800  }
0x9b: {  	_ =	sfence.sel $0x180000  }
0x9c: {  	[bflag:$0x0] =	sbarrier.arrive $0xFFFF  }
0x9d: {  	p0 =	sne.s32 s0, $0x0;
	_ =	strace $0x90000047  }
0x9e: {  	s0 =	sadd.s32 @!p0 $0x100000, s1;
	[bflag:$0x2] =	sbarrier.arrive $0xFFFF  }
0x9f: {  	[sflag:s0] =	ssyncadd.tile.s32 @!p0 $0x1;
	_ =	shalt  }
.Lfunc_end2:
_tile_overlayer_lowered:
.L_overlay_start_2:
0xa0: {  	(tag) =	ssettag $0x2  }
0xa1: {  	s0 =	rddreg [dreg:$0x0];
	s2 =	stileid.u32  }
0xa2: {  	s1 =	rddreg [dreg:$0x1];
	p0 =	sne.s32 s2, $0x0  }
0xa3: {  	s3 =	rddreg [dreg:$0x2];
	[bflag:$0x3] =	sbarrier.arrive $0xFFFF;
	s2 =	simm.s32 @!p0 $0x1C03  }
0xa4: {  	[timem:s3], [sflag:s2] =	dma.local @!p0 [hbm:s0], s1  }
0xa5: {  	s0 =	simm.s32 @!p0 $0x3  }
0xa6: {  	_ =	swait.ge @!p0 [sflag:s0], s1  }
0xa7: {  	s1 =	ssub.s32 @!p0 $0x0, s1;
	[sflag:s0] =	ssyncset.done @!p0 $0x0  }
0xa8: {  	[sflag:s0] =	ssyncadd.s32 @!p0 s1  }
0xa9: {  	[bflag:$0x3] =	sbarrier.arrive $0xFFFF  }
0xaa: {  	_ =	shalt  }

</sc_bundles>
